<compile_context>
chip_gen: v7x
topology: tpu7x:2x2x1
jax: 0.10.2.dev20260603
libtpu: 0.0.44.dev20260713+nightly
codegen_flags: <defaults>
</compile_context>

<pallas_src>
import jax
import jax.numpy as jnp
from jax import lax
from jax.experimental import pallas as pl
from jax.experimental.pallas import tpu as pltpu
from jax.experimental.pallas import tpu_sc as plsc

_F = 26
_V = 100000
_E = 32
_NC = 2
_NS = 16
_NW = _NC * _NS
_L = 16
_RPW = (_F * _E) // _NW

_VA = 49920
_VB = _V - _VA


def _rne_bf16_hi(u):
    bit = lax.shift_right_logical(u, 16) & jnp.int32(1)
    return lax.shift_right_logical(u + jnp.int32(0x7FFF) + bit, 16)


def _gather_t_body(emb_ref, idx_ref, out_ref, bufa_v, bufb_v, idxrow_v,
                   outw_v, sema, semb):
    batch = idx_ref.shape[1]
    w = lax.axis_index("s") * _NC + lax.axis_index("c")
    start = _RPW * w
    end = start + _RPW
    lanes = lax.iota(jnp.int32, _L)

    def start_a(r):
        return pltpu.async_copy(emb_ref.at[r, pl.ds(0, _VA)], bufa_v, sema)

    def start_b(r):
        return pltpu.async_copy(emb_ref.at[r, pl.ds(_VA, _VB)], bufb_v, semb)

    start_a(start)
    start_b(start)

    def per_row(r, fprev):
        f = r // _E

        @pl.when(f != fprev)
        def _():
            pltpu.sync_copy(idx_ref.at[f], idxrow_v)

        pltpu.make_async_copy(emb_ref.at[r, pl.ds(0, _VA)], bufa_v, sema).wait()

        def g1(i, c):
            pe = _L * 2 * i + 2 * lanes
            ie = plsc.load_gather(idxrow_v, [pe])
            io = plsc.load_gather(idxrow_v, [pe + 1])
            a = plsc.load_gather(bufa_v, [jnp.minimum(ie, _VA - 1)])
            b = plsc.load_gather(bufa_v, [jnp.minimum(io, _VA - 1)])
            ra = _rne_bf16_hi(plsc.bitcast(a, jnp.int32))
            rb = _rne_bf16_hi(plsc.bitcast(b, jnp.int32))
            outw_v[pl.ds(_L * i, _L)] = ra | lax.shift_left(rb, 16)
            return c

        lax.fori_loop(0, batch // (2 * _L), g1, 0)

        @pl.when(r + 1 < end)
        def _():
            start_a(r + 1)

        pltpu.make_async_copy(emb_ref.at[r, pl.ds(_VA, _VB)], bufb_v, semb).wait()

        def g2(i, c):
            pe = _L * 2 * i + 2 * lanes
            ie = plsc.load_gather(idxrow_v, [pe])
            io = plsc.load_gather(idxrow_v, [pe + 1])
            a = plsc.load_gather(bufb_v, [jnp.maximum(ie - _VA, 0)])
            b = plsc.load_gather(bufb_v, [jnp.maximum(io - _VA, 0)])
            ra = _rne_bf16_hi(plsc.bitcast(a, jnp.int32))
            rb = _rne_bf16_hi(plsc.bitcast(b, jnp.int32))
            word = outw_v[pl.ds(_L * i, _L)]
            we = jnp.where(ie >= _VA, ra, word & jnp.int32(0xFFFF))
            wo = jnp.where(io >= _VA, rb, lax.shift_right_logical(word, 16))
            outw_v[pl.ds(_L * i, _L)] = we | lax.shift_left(wo, 16)
            return c

        lax.fori_loop(0, batch // (2 * _L), g2, 0)

        @pl.when(r + 1 < end)
        def _():
            start_b(r + 1)

        pltpu.sync_copy(outw_v, out_ref.at[r])
        return f

    lax.fori_loop(start, end, per_row, jnp.int32(-1))


def _sc_gather_t(emb_t, idx_t):
    batch = idx_t.shape[1]
    kern = pl.kernel(
        _gather_t_body,
        out_type=jax.ShapeDtypeStruct((_F * _E, batch // 2), jnp.int32),
        mesh=plsc.VectorSubcoreMesh(core_axis_name="c", subcore_axis_name="s"),
        scratch_types=[
            pltpu.VMEM((_VA,), jnp.float32),
            pltpu.VMEM((_VB,), jnp.float32),
            pltpu.VMEM((batch,), jnp.int32),
            pltpu.VMEM((batch // 2,), jnp.int32),
            pltpu.SemaphoreType.DMA,
            pltpu.SemaphoreType.DMA,
        ],
        compiler_params=pltpu.CompilerParams(needs_layout_passes=False),
    )
    return kern(emb_t, idx_t)


def _dot0(a, b):
    return lax.dot_general(a, b, (((0,), (0,)), ((), ())),
                           preferred_element_type=jnp.float32)


def _mlp_body(x_ref, xnum_ref, w1a_ref, w1b_ref, b1_ref, w2_ref, b2_ref,
              w3_ref, b3_ref, w4_ref, b4_ref, out_ref):
    x32 = x_ref[...]
    lo = lax.bitcast_convert_type(lax.shift_left(x32, 16), jnp.float32)
    hi = lax.bitcast_convert_type(x32 & jnp.int32(-65536), jnp.float32)
    xbf = jnp.concatenate([lo, hi], axis=1).astype(jnp.bfloat16)
    h = _dot0(w1a_ref[...].astype(jnp.bfloat16), xbf)
    h += _dot0(w1b_ref[...], xnum_ref[...])
    h = jnp.maximum(h + b1_ref[...], 0.0)
    h = jnp.maximum(_dot0(w2_ref[...], h) + b2_ref[...], 0.0)
    h = jnp.maximum(_dot0(w3_ref[...], h) + b3_ref[...], 0.0)
    out_ref[...] = _dot0(w4_ref[...], h) + b4_ref[...]


def _tc_mlp_t(xw, xnum_t, w1a, w1b, b1, w2, b2, w3, b3, w4, b4):
    nw = xw.shape[1]
    bbw = nw // 2
    bb = 2 * bbw
    full = lambda a: pl.BlockSpec(a.shape, lambda i: (0, 0))
    return pl.pallas_call(
        _mlp_body,
        grid=(nw // bbw,),
        in_specs=[
            pl.BlockSpec((xw.shape[0], bbw), lambda i: (0, i)),
            pl.BlockSpec((xnum_t.shape[0], bb), lambda i: (0, i)),
            full(w1a), full(w1b), full(b1), full(w2), full(b2),
            full(w3), full(b3), full(w4), full(b4),
        ],
        out_specs=pl.BlockSpec((1, bb), lambda i: (0, i)),
        out_shape=jax.ShapeDtypeStruct((1, 2 * nw), jnp.float32),
    )(xw, xnum_t, w1a, w1b, b1, w2, b2, w3, b3, w4, b4)


def kernel(x_cat, x_num, emb, W1, b1, W2, b2, W3, b3, W4, b4):
    batch = x_cat.shape[0]
    emb_t = jnp.transpose(emb, (0, 2, 1)).reshape(_F * _E, _V)
    idx_t = jnp.transpose(x_cat.astype(jnp.int32))
    xw = _sc_gather_t(emb_t, idx_t)

    nb = 2
    jcols = batch // (2 * nb)
    xnum_t = jnp.pad(jnp.transpose(x_num), ((0, 3), (0, 0)))
    xnum_p = (xnum_t.reshape(-1, nb, jcols, 2)
              .transpose(0, 1, 3, 2).reshape(-1, batch))
    w1a = W1[:_F * _E]
    w1b = jnp.pad(W1[_F * _E:], ((0, 3), (0, 0)))
    out_t = _tc_mlp_t(
        xw, xnum_p, w1a, w1b,
        b1.reshape(-1, 1), W2, b2.reshape(-1, 1),
        W3, b3.reshape(-1, 1), W4, b4.reshape(-1, 1))
    return (out_t.reshape(nb, 2, jcols).transpose(0, 2, 1)
            .reshape(batch, 1))

# --- scband reference (transcript-rebuilt; emitter-appended) ---
"""Pipeline reference for scband-dnnmodel-56126632624558 (READ-ONLY COPY).

The authoritative reference and input builder live on the scoring server;
editing this copy changes nothing except your own understanding.
"""

import jax, jax.numpy as jnp
import numpy as np

NUM_FIELDS = 26
VOCAB = 100000
EMBED = 32
NUM_DIM = 13
BATCH = 4096
HIDDEN = [512, 256, 128]


def setup_inputs(seed: int = 0) -> dict:
    key = jax.random.key(seed)
    ks = jax.random.split(key, 12)
    x_cat = jax.random.randint(ks[0], (BATCH, NUM_FIELDS), 0, VOCAB, dtype=jnp.int64 if jax.config.jax_enable_x64 else jnp.int32)
    x_num = jax.random.normal(ks[1], (BATCH, NUM_DIM), dtype=jnp.float32)
    emb = jax.random.normal(ks[2], (NUM_FIELDS, VOCAB, EMBED), dtype=jnp.float32) * 0.01
    in_dim = NUM_FIELDS * EMBED + NUM_DIM
    dims = [in_dim] + HIDDEN + [1]
    params = {}
    for i in range(4):
        params["W%d" % (i + 1)] = jax.random.normal(ks[3 + i], (dims[i], dims[i + 1]), dtype=jnp.float32) * (1.0 / np.sqrt(dims[i]))
        params["b%d" % (i + 1)] = jnp.zeros((dims[i + 1],), dtype=jnp.float32)
    out = {"x_cat": x_cat, "x_num": x_num, "emb": emb}
    out.update(params)
    return out


def reference(x_cat, x_num, emb, W1, b1, W2, b2, W3, b3, W4, b4):
    # per-field embedding lookup: emb[i] is the i-th table [VOCAB, EMBED]
    embs = jnp.stack([jnp.take(emb[i], x_cat[:, i], axis=0) for i in range(NUM_FIELDS)], axis=1)  # [B, F, D]
    flat = embs.reshape(embs.shape[0], -1)  # [B, F*D]
    dnn_in = jnp.concatenate([flat, x_num], axis=1)
    h = jax.nn.relu(dnn_in @ W1 + b1)
    h = jax.nn.relu(h @ W2 + b2)
    h = jax.nn.relu(h @ W3 + b3)
    return h @ W4 + b4

if __name__ == "__main__":
    import jax
    _d = setup_inputs()
    print(jax.jit(kernel)(*tuple(_d.values())))

</pallas_src>

<mosaic_0001>
#map = affine_map<(d0, d1) -> (0, 0)>
module attributes {stable_mosaic.version = 14 : i64} {
  func.func @_gather_t_body(%arg0: i32, %arg1: i32, %arg2: memref<832x100000xf32, #tpu.memory_space<hbm>>, %arg3: memref<26x4096xi32, #tpu.memory_space<hbm>>, %arg4: memref<832x2048xi32, #tpu.memory_space<hbm>>, %arg5: memref<49920xf32, #tpu.memory_space<vmem>>, %arg6: memref<50080xf32, #tpu.memory_space<vmem>>, %arg7: memref<4096xi32, #tpu.memory_space<vmem>>, %arg8: memref<2048xi32, #tpu.memory_space<vmem>>, %arg9: memref<!tpu.dma_semaphore, #tpu.memory_space<semaphore_mem>>, %arg10: memref<!tpu.dma_semaphore, #tpu.memory_space<semaphore_mem>>) attributes {dimension_semantics = [#tpu.dimension_semantics<core_parallel>, #tpu.dimension_semantics<subcore_parallel>], iteration_bounds = array<i64: 2, 16>, scalar_prefetch = 0 : i64, scratch_operands = 6 : i64, tpu.core_type = #tpu.core_type<sc_vector_subcore>, window_params = [{transform_indices = #map}, {transform_indices = #map}, {transform_indices = #map}]} {
    %mul3A = arith.constant 2 : i32
    %mul3A_0 = arith.muli %arg1, %mul3A : i32
    %add3A = arith.addi %mul3A_0, %arg0 : i32
    %mul3A_1 = arith.constant 26 : i32
    %mul3A_2 = arith.muli %mul3A_1, %add3A : i32
    %add3A_3 = arith.constant 26 : i32
    %add3A_4 = arith.addi %mul3A_2, %add3A_3 : i32
    %iota3A = tpu.iota {dimensions = array<i32: 0>} : vector<16xi32>
    %dma_start3A = arith.constant 0 : i32
    %dma_start3A_5 = tpu.memref_slice %arg2[%mul3A_2, %dma_start3A] : memref<832x100000xf32, #tpu.memory_space<hbm>> -> memref<1x49920xf32, #tpu.memory_space<hbm>>
    %dma_start3A_6 = tpu.memref_squeeze %dma_start3A_5 : memref<1x49920xf32, #tpu.memory_space<hbm>> -> memref<49920xf32, #tpu.memory_space<hbm>>
    %dma_start3A_7 = arith.constant 0 : i32
    %dma_start3A_8 = tpu.memref_slice %arg2[%mul3A_2, %dma_start3A_7] : memref<832x100000xf32, #tpu.memory_space<hbm>> -> memref<1x49920xf32, #tpu.memory_space<hbm>>
    %dma_start3A_9 = tpu.memref_squeeze %dma_start3A_8 : memref<1x49920xf32, #tpu.memory_space<hbm>> -> memref<49920xf32, #tpu.memory_space<hbm>>
    tpu.enqueue_dma source(%dma_start3A_9 : memref<49920xf32, #tpu.memory_space<hbm>>) target(%arg5 : memref<49920xf32, #tpu.memory_space<vmem>>) target_semaphore(%arg9 : memref<!tpu.dma_semaphore, #tpu.memory_space<semaphore_mem>>)
    %dma_start3A_10 = arith.constant 49920 : i32
    %dma_start3A_11 = tpu.memref_slice %arg2[%mul3A_2, %dma_start3A_10] : memref<832x100000xf32, #tpu.memory_space<hbm>> -> memref<1x50080xf32, #tpu.memory_space<hbm>>
    %dma_start3A_12 = tpu.memref_squeeze %dma_start3A_11 : memref<1x50080xf32, #tpu.memory_space<hbm>> -> memref<50080xf32, #tpu.memory_space<hbm>>
    %dma_start3A_13 = arith.constant 49920 : i32
    %dma_start3A_14 = tpu.memref_slice %arg2[%mul3A_2, %dma_start3A_13] : memref<832x100000xf32, #tpu.memory_space<hbm>> -> memref<1x50080xf32, #tpu.memory_space<hbm>>
    %dma_start3A_15 = tpu.memref_squeeze %dma_start3A_14 : memref<1x50080xf32, #tpu.memory_space<hbm>> -> memref<50080xf32, #tpu.memory_space<hbm>>
    tpu.enqueue_dma source(%dma_start3A_15 : memref<50080xf32, #tpu.memory_space<hbm>>) target(%arg6 : memref<50080xf32, #tpu.memory_space<vmem>>) target_semaphore(%arg10 : memref<!tpu.dma_semaphore, #tpu.memory_space<semaphore_mem>>)
    %while3A = arith.constant -1 : i32
    %while3A_16 = arith.subi %add3A_4, %mul3A_2 : i32
    %while3A_17 = arith.addi %mul3A_2, %while3A_16 : i32
    %while3A_18 = arith.constant 1 : i32
    %while3A_19 = arith.divsi %while3A_16, %while3A_18 : i32
    %while3A_20 = arith.muli %while3A_19, %while3A_18 : i32
    %while3A_21 = arith.addi %mul3A_2, %while3A_20 : i32
    %while3A_22 = arith.constant 1 : i32
    %while3A_23 = scf.for %while3A_26 = %mul3A_2 to %while3A_21 step %while3A_22 iter_args(%while3A_27 = %while3A) -> (i32)  : i32 {
      %jit3A = arith.constant 32 : i32
      %div3A = arith.divsi %while3A_26, %jit3A : i32
      %sign3A = arith.constant 0 : i32
      %sign3A_28 = arith.cmpi sgt, %while3A_26, %sign3A : i32
      %sign3A_29 = arith.extui %sign3A_28 : i1 to i32
      %sign3A_30 = arith.constant 0 : i32
      %sign3A_31 = arith.cmpi slt, %while3A_26, %sign3A_30 : i32
      %sign3A_32 = arith.extui %sign3A_31 : i1 to i32
      %sign3A_33 = arith.subi %sign3A_29, %sign3A_32 : i32
      %sign3A_34 = arith.constant 0 : i32
      %sign3A_35 = arith.cmpi sgt, %jit3A, %sign3A_34 : i32
      %sign3A_36 = arith.extui %sign3A_35 : i1 to i32
      %sign3A_37 = arith.constant 0 : i32
      %sign3A_38 = arith.cmpi slt, %jit3A, %sign3A_37 : i32
      %sign3A_39 = arith.extui %sign3A_38 : i1 to i32
      %sign3A_40 = arith.subi %sign3A_36, %sign3A_39 : i32
      %ne3A = arith.cmpi ne, %sign3A_33, %sign3A_40 : i32
      %rem3A = arith.remsi %while3A_26, %jit3A : i32
      %ne3A_41 = arith.constant 0 : i32
      %ne3A_42 = arith.cmpi ne, %rem3A, %ne3A_41 : i32
      %and3A = arith.andi %ne3A, %ne3A_42 : i1
      %sub3A = arith.constant 1 : i32
      %sub3A_43 = arith.subi %div3A, %sub3A : i32
      %select_n3A = arith.select %and3A, %sub3A_43, %div3A : i32
      %ne3A_44 = arith.cmpi ne, %select_n3A, %while3A_27 : i32
      %convert_element_type3A = arith.extui %ne3A_44 : i1 to i32
      %cond3A = arith.constant 0 : i32
      %cond3A_45 = arith.cmpi ne, %convert_element_type3A, %cond3A : i32
      scf.if %cond3A_45 {
        "tpu.region"() ({
          %run_scoped3A = tpu.sem_alloc : memref<!tpu.dma_semaphore, #tpu.memory_space<semaphore_mem>>
          %dma_start3A_79 = arith.constant 0 : i32
          %dma_start3A_80 = tpu.memref_slice %arg3[%select_n3A, %dma_start3A_79] : memref<26x4096xi32, #tpu.memory_space<hbm>> -> memref<1x4096xi32, #tpu.memory_space<hbm>>
          %dma_start3A_81 = tpu.memref_squeeze %dma_start3A_80 : memref<1x4096xi32, #tpu.memory_space<hbm>> -> memref<4096xi32, #tpu.memory_space<hbm>>
          %dma_start3A_82 = arith.constant 0 : i32
          %dma_start3A_83 = tpu.memref_slice %arg3[%select_n3A, %dma_start3A_82] : memref<26x4096xi32, #tpu.memory_space<hbm>> -> memref<1x4096xi32, #tpu.memory_space<hbm>>
          %dma_start3A_84 = tpu.memref_squeeze %dma_start3A_83 : memref<1x4096xi32, #tpu.memory_space<hbm>> -> memref<4096xi32, #tpu.memory_space<hbm>>
          tpu.enqueue_dma source(%dma_start3A_84 : memref<4096xi32, #tpu.memory_space<hbm>>) target(%arg7 : memref<4096xi32, #tpu.memory_space<vmem>>) target_semaphore(%run_scoped3A : memref<!tpu.dma_semaphore, #tpu.memory_space<semaphore_mem>>)
          %dma_wait3A_85 = arith.constant 0 : i32
          %dma_wait3A_86 = tpu.memref_slice %arg3[%select_n3A, %dma_wait3A_85] : memref<26x4096xi32, #tpu.memory_space<hbm>> -> memref<1x4096xi32, #tpu.memory_space<hbm>>
          %dma_wait3A_87 = tpu.memref_squeeze %dma_wait3A_86 : memref<1x4096xi32, #tpu.memory_space<hbm>> -> memref<4096xi32, #tpu.memory_space<hbm>>
          %dma_wait3A_88 = arith.constant 0 : i32
          %dma_wait3A_89 = tpu.memref_slice %arg3[%select_n3A, %dma_wait3A_88] : memref<26x4096xi32, #tpu.memory_space<hbm>> -> memref<1x4096xi32, #tpu.memory_space<hbm>>
          %dma_wait3A_90 = tpu.memref_squeeze %dma_wait3A_89 : memref<1x4096xi32, #tpu.memory_space<hbm>> -> memref<4096xi32, #tpu.memory_space<hbm>>
          tpu.wait_dma2 semaphore(%run_scoped3A : memref<!tpu.dma_semaphore, #tpu.memory_space<semaphore_mem>>) src(%dma_wait3A_90 : memref<4096xi32, #tpu.memory_space<hbm>>) dst(%arg7 : memref<4096xi32, #tpu.memory_space<vmem>>)
          tpu.yield
        }) : () -> ()
      } else {
      }
      %dma_wait3A = arith.constant 0 : i32
      %dma_wait3A_46 = tpu.memref_slice %arg2[%while3A_26, %dma_wait3A] : memref<832x100000xf32, #tpu.memory_space<hbm>> -> memref<1x49920xf32, #tpu.memory_space<hbm>>
      %dma_wait3A_47 = tpu.memref_squeeze %dma_wait3A_46 : memref<1x49920xf32, #tpu.memory_space<hbm>> -> memref<49920xf32, #tpu.memory_space<hbm>>
      %dma_wait3A_48 = arith.constant 0 : i32
      %dma_wait3A_49 = tpu.memref_slice %arg2[%while3A_26, %dma_wait3A_48] : memref<832x100000xf32, #tpu.memory_space<hbm>> -> memref<1x49920xf32, #tpu.memory_space<hbm>>
      %dma_wait3A_50 = tpu.memref_squeeze %dma_wait3A_49 : memref<1x49920xf32, #tpu.memory_space<hbm>> -> memref<49920xf32, #tpu.memory_space<hbm>>
      tpu.wait_dma2 semaphore(%arg9 : memref<!tpu.dma_semaphore, #tpu.memory_space<semaphore_mem>>) src(%dma_wait3A_50 : memref<49920xf32, #tpu.memory_space<hbm>>) dst(%arg5 : memref<49920xf32, #tpu.memory_space<vmem>>)
      %scan3A = arith.constant 0 : i32
      %scan3A_51 = arith.constant 0 : i32
      %scan3A_52 = arith.constant 128 : i32
      %scan3A_53 = arith.addi %scan3A_51, %scan3A_52 : i32
      %scan3A_54 = arith.constant 1 : i32
      scf.for %scan3A_79 = %scan3A_51 to %scan3A_53 step %scan3A_54  : i32 {
        %mul3A_80 = arith.constant 32 : i32
        %mul3A_81 = arith.muli %mul3A_80, %scan3A_79 : i32
        %mul3A_82 = arith.constant 2 : i32
        %mul3A_83 = vector.broadcast %mul3A_82 : i32 to vector<16xi32>
        %mul3A_84 = arith.muli %mul3A_83, %iota3A : vector<16xi32>
        %add3A_85 = vector.broadcast %mul3A_81 : i32 to vector<16xi32>
        %add3A_86 = arith.addi %add3A_85, %mul3A_84 : vector<16xi32>
        %gather3A = tpu.vector_load_idx %arg7[%add3A_86] : memref<4096xi32, #tpu.memory_space<vmem>>[vector<16xi32>], vector<16xi32>,
        %add3A_87 = arith.constant 1 : i32
        %add3A_88 = vector.broadcast %add3A_87 : i32 to vector<16xi32>
        %add3A_89 = arith.addi %add3A_86, %add3A_88 : vector<16xi32>
        %gather3A_90 = tpu.vector_load_idx %arg7[%add3A_89] : memref<4096xi32, #tpu.memory_space<vmem>>[vector<16xi32>], vector<16xi32>,
        %min3A = arith.constant 49919 : i32
        %min3A_91 = vector.broadcast %min3A : i32 to vector<16xi32>
        %min3A_92 = arith.minsi %gather3A, %min3A_91 : vector<16xi32>
        %gather3A_93 = tpu.vector_load_idx %arg5[%min3A_92] : memref<49920xf32, #tpu.memory_space<vmem>>[vector<16xi32>], vector<16xf32>,
        %min3A_94 = arith.constant 49919 : i32
        %min3A_95 = vector.broadcast %min3A_94 : i32 to vector<16xi32>
        %min3A_96 = arith.minsi %gather3A_90, %min3A_95 : vector<16xi32>
        %gather3A_97 = tpu.vector_load_idx %arg5[%min3A_96] : memref<49920xf32, #tpu.memory_space<vmem>>[vector<16xi32>], vector<16xf32>,
        %bitcast3A = vector.bitcast %gather3A_93 : vector<16xf32> to vector<16xi32>
        %shift_right_logical3A = arith.constant 16 : i32
        %shift_right_logical3A_98 = vector.broadcast %shift_right_logical3A : i32 to vector<16xi32>
        %shift_right_logical3A_99 = arith.shrui %bitcast3A, %shift_right_logical3A_98 : vector<16xi32>
        %and3A_100 = arith.constant 1 : i32
        %and3A_101 = vector.broadcast %and3A_100 : i32 to vector<16xi32>
        %and3A_102 = arith.andi %shift_right_logical3A_99, %and3A_101 : vector<16xi32>
        %add3A_103 = arith.constant 32767 : i32
        %add3A_104 = vector.broadcast %add3A_103 : i32 to vector<16xi32>
        %add3A_105 = arith.addi %bitcast3A, %add3A_104 : vector<16xi32>
        %add3A_106 = arith.addi %add3A_105, %and3A_102 : vector<16xi32>
        %shift_right_logical3A_107 = arith.constant 16 : i32
        %shift_right_logical3A_108 = vector.broadcast %shift_right_logical3A_107 : i32 to vector<16xi32>
        %shift_right_logical3A_109 = arith.shrui %add3A_106, %shift_right_logical3A_108 : vector<16xi32>
        %bitcast3A_110 = vector.bitcast %gather3A_97 : vector<16xf32> to vector<16xi32>
        %shift_right_logical3A_111 = arith.constant 16 : i32
        %shift_right_logical3A_112 = vector.broadcast %shift_right_logical3A_111 : i32 to vector<16xi32>
        %shift_right_logical3A_113 = arith.shrui %bitcast3A_110, %shift_right_logical3A_112 : vector<16xi32>
        %and3A_114 = arith.constant 1 : i32
        %and3A_115 = vector.broadcast %and3A_114 : i32 to vector<16xi32>
        %and3A_116 = arith.andi %shift_right_logical3A_113, %and3A_115 : vector<16xi32>
        %add3A_117 = arith.constant 32767 : i32
        %add3A_118 = vector.broadcast %add3A_117 : i32 to vector<16xi32>
        %add3A_119 = arith.addi %bitcast3A_110, %add3A_118 : vector<16xi32>
        %add3A_120 = arith.addi %add3A_119, %and3A_116 : vector<16xi32>
        %shift_right_logical3A_121 = arith.constant 16 : i32
        %shift_right_logical3A_122 = vector.broadcast %shift_right_logical3A_121 : i32 to vector<16xi32>
        %shift_right_logical3A_123 = arith.shrui %add3A_120, %shift_right_logical3A_122 : vector<16xi32>
        %shift_left3A = arith.constant 16 : i32
        %shift_left3A_124 = vector.broadcast %shift_left3A : i32 to vector<16xi32>
        %shift_left3A_125 = arith.shli %shift_right_logical3A_123, %shift_left3A_124 : vector<16xi32>
        %or3A = arith.ori %shift_right_logical3A_109, %shift_left3A_125 : vector<16xi32>
        %mul3A_126 = arith.constant 16 : i32
        %mul3A_127 = arith.muli %mul3A_126, %scan3A_79 : i32
        %swap3A = arith.index_cast %mul3A_127 : i32 to index
        %swap3A_128 = tpu.vector_load %arg8[%swap3A] {strides = array<i32>} : memref<2048xi32, #tpu.memory_space<vmem>>, vector<16xi32>,
        tpu.vector_store %arg8[%swap3A], %or3A {strides = array<i32>} : memref<2048xi32, #tpu.memory_space<vmem>>, vector<16xi32>,
      }
      %scan3A_55 = arith.constant 128 : i32
      %add3A_56 = arith.constant 1 : i32
      %add3A_57 = arith.addi %while3A_26, %add3A_56 : i32
      %lt3A = arith.cmpi slt, %add3A_57, %add3A_4 : i32
      %convert_element_type3A_58 = arith.extui %lt3A : i1 to i32
      %cond3A_59 = arith.constant 0 : i32
      %cond3A_60 = arith.cmpi ne, %convert_element_type3A_58, %cond3A_59 : i32
      scf.if %cond3A_60 {
        %add3A_79 = arith.constant 1 : i32
        %add3A_80 = arith.addi %while3A_26, %add3A_79 : i32
        %dma_start3A_81 = arith.constant 0 : i32
        %dma_start3A_82 = tpu.memref_slice %arg2[%add3A_80, %dma_start3A_81] : memref<832x100000xf32, #tpu.memory_space<hbm>> -> memref<1x49920xf32, #tpu.memory_space<hbm>>
        %dma_start3A_83 = tpu.memref_squeeze %dma_start3A_82 : memref<1x49920xf32, #tpu.memory_space<hbm>> -> memref<49920xf32, #tpu.memory_space<hbm>>
        %dma_start3A_84 = arith.constant 0 : i32
        %dma_start3A_85 = tpu.memref_slice %arg2[%add3A_80, %dma_start3A_84] : memref<832x100000xf32, #tpu.memory_space<hbm>> -> memref<1x49920xf32, #tpu.memory_space<hbm>>
        %dma_start3A_86 = tpu.memref_squeeze %dma_start3A_85 : memref<1x49920xf32, #tpu.memory_space<hbm>> -> memref<49920xf32, #tpu.memory_space<hbm>>
        tpu.enqueue_dma source(%dma_start3A_86 : memref<49920xf32, #tpu.memory_space<hbm>>) target(%arg5 : memref<49920xf32, #tpu.memory_space<vmem>>) target_semaphore(%arg9 : memref<!tpu.dma_semaphore, #tpu.memory_space<semaphore_mem>>)
      } else {
      }
      %dma_wait3A_61 = arith.constant 49920 : i32
      %dma_wait3A_62 = tpu.memref_slice %arg2[%while3A_26, %dma_wait3A_61] : memref<832x100000xf32, #tpu.memory_space<hbm>> -> memref<1x50080xf32, #tpu.memory_space<hbm>>
      %dma_wait3A_63 = tpu.memref_squeeze %dma_wait3A_62 : memref<1x50080xf32, #tpu.memory_space<hbm>> -> memref<50080xf32, #tpu.memory_space<hbm>>
      %dma_wait3A_64 = arith.constant 49920 : i32
      %dma_wait3A_65 = tpu.memref_slice %arg2[%while3A_26, %dma_wait3A_64] : memref<832x100000xf32, #tpu.memory_space<hbm>> -> memref<1x50080xf32, #tpu.memory_space<hbm>>
      %dma_wait3A_66 = tpu.memref_squeeze %dma_wait3A_65 : memref<1x50080xf32, #tpu.memory_space<hbm>> -> memref<50080xf32, #tpu.memory_space<hbm>>
      tpu.wait_dma2 semaphore(%arg10 : memref<!tpu.dma_semaphore, #tpu.memory_space<semaphore_mem>>) src(%dma_wait3A_66 : memref<50080xf32, #tpu.memory_space<hbm>>) dst(%arg6 : memref<50080xf32, #tpu.memory_space<vmem>>)
      %scan3A_67 = arith.constant 0 : i32
      %scan3A_68 = arith.constant 0 : i32
      %scan3A_69 = arith.constant 128 : i32
      %scan3A_70 = arith.addi %scan3A_68, %scan3A_69 : i32
      %scan3A_71 = arith.constant 1 : i32
      scf.for %scan3A_79 = %scan3A_68 to %scan3A_70 step %scan3A_71  : i32 {
        %mul3A_80 = arith.constant 32 : i32
        %mul3A_81 = arith.muli %mul3A_80, %scan3A_79 : i32
        %mul3A_82 = arith.constant 2 : i32
        %mul3A_83 = vector.broadcast %mul3A_82 : i32 to vector<16xi32>
        %mul3A_84 = arith.muli %mul3A_83, %iota3A : vector<16xi32>
        %add3A_85 = vector.broadcast %mul3A_81 : i32 to vector<16xi32>
        %add3A_86 = arith.addi %add3A_85, %mul3A_84 : vector<16xi32>
        %gather3A = tpu.vector_load_idx %arg7[%add3A_86] : memref<4096xi32, #tpu.memory_space<vmem>>[vector<16xi32>], vector<16xi32>,
        %add3A_87 = arith.constant 1 : i32
        %add3A_88 = vector.broadcast %add3A_87 : i32 to vector<16xi32>
        %add3A_89 = arith.addi %add3A_86, %add3A_88 : vector<16xi32>
        %gather3A_90 = tpu.vector_load_idx %arg7[%add3A_89] : memref<4096xi32, #tpu.memory_space<vmem>>[vector<16xi32>], vector<16xi32>,
        %sub3A_91 = arith.constant 49920 : i32
        %sub3A_92 = vector.broadcast %sub3A_91 : i32 to vector<16xi32>
        %sub3A_93 = arith.subi %gather3A, %sub3A_92 : vector<16xi32>
        %max3A = arith.constant 0 : i32
        %max3A_94 = vector.broadcast %max3A : i32 to vector<16xi32>
        %max3A_95 = arith.maxsi %sub3A_93, %max3A_94 : vector<16xi32>
        %gather3A_96 = tpu.vector_load_idx %arg6[%max3A_95] : memref<50080xf32, #tpu.memory_space<vmem>>[vector<16xi32>], vector<16xf32>,
        %sub3A_97 = arith.constant 49920 : i32
        %sub3A_98 = vector.broadcast %sub3A_97 : i32 to vector<16xi32>
        %sub3A_99 = arith.subi %gather3A_90, %sub3A_98 : vector<16xi32>
        %max3A_100 = arith.constant 0 : i32
        %max3A_101 = vector.broadcast %max3A_100 : i32 to vector<16xi32>
        %max3A_102 = arith.maxsi %sub3A_99, %max3A_101 : vector<16xi32>
        %gather3A_103 = tpu.vector_load_idx %arg6[%max3A_102] : memref<50080xf32, #tpu.memory_space<vmem>>[vector<16xi32>], vector<16xf32>,
        %bitcast3A = vector.bitcast %gather3A_96 : vector<16xf32> to vector<16xi32>
        %shift_right_logical3A = arith.constant 16 : i32
        %shift_right_logical3A_104 = vector.broadcast %shift_right_logical3A : i32 to vector<16xi32>
        %shift_right_logical3A_105 = arith.shrui %bitcast3A, %shift_right_logical3A_104 : vector<16xi32>
        %and3A_106 = arith.constant 1 : i32
        %and3A_107 = vector.broadcast %and3A_106 : i32 to vector<16xi32>
        %and3A_108 = arith.andi %shift_right_logical3A_105, %and3A_107 : vector<16xi32>
        %add3A_109 = arith.constant 32767 : i32
        %add3A_110 = vector.broadcast %add3A_109 : i32 to vector<16xi32>
        %add3A_111 = arith.addi %bitcast3A, %add3A_110 : vector<16xi32>
        %add3A_112 = arith.addi %add3A_111, %and3A_108 : vector<16xi32>
        %shift_right_logical3A_113 = arith.constant 16 : i32
        %shift_right_logical3A_114 = vector.broadcast %shift_right_logical3A_113 : i32 to vector<16xi32>
        %shift_right_logical3A_115 = arith.shrui %add3A_112, %shift_right_logical3A_114 : vector<16xi32>
        %bitcast3A_116 = vector.bitcast %gather3A_103 : vector<16xf32> to vector<16xi32>
        %shift_right_logical3A_117 = arith.constant 16 : i32
        %shift_right_logical3A_118 = vector.broadcast %shift_right_logical3A_117 : i32 to vector<16xi32>
        %shift_right_logical3A_119 = arith.shrui %bitcast3A_116, %shift_right_logical3A_118 : vector<16xi32>
        %and3A_120 = arith.constant 1 : i32
        %and3A_121 = vector.broadcast %and3A_120 : i32 to vector<16xi32>
        %and3A_122 = arith.andi %shift_right_logical3A_119, %and3A_121 : vector<16xi32>
        %add3A_123 = arith.constant 32767 : i32
        %add3A_124 = vector.broadcast %add3A_123 : i32 to vector<16xi32>
        %add3A_125 = arith.addi %bitcast3A_116, %add3A_124 : vector<16xi32>
        %add3A_126 = arith.addi %add3A_125, %and3A_122 : vector<16xi32>
        %shift_right_logical3A_127 = arith.constant 16 : i32
        %shift_right_logical3A_128 = vector.broadcast %shift_right_logical3A_127 : i32 to vector<16xi32>
        %shift_right_logical3A_129 = arith.shrui %add3A_126, %shift_right_logical3A_128 : vector<16xi32>
        %mul3A_130 = arith.constant 16 : i32
        %mul3A_131 = arith.muli %mul3A_130, %scan3A_79 : i32
        %get3A = arith.index_cast %mul3A_131 : i32 to index
        %get3A_132 = tpu.vector_load %arg8[%get3A] {strides = array<i32>} : memref<2048xi32, #tpu.memory_space<vmem>>, vector<16xi32>,
        %ge3A = arith.constant 49920 : i32
        %ge3A_133 = vector.broadcast %ge3A : i32 to vector<16xi32>
        %ge3A_134 = arith.cmpi sge, %gather3A, %ge3A_133 : vector<16xi32>
        %and3A_135 = arith.constant 65535 : i32
        %and3A_136 = vector.broadcast %and3A_135 : i32 to vector<16xi32>
        %and3A_137 = arith.andi %get3A_132, %and3A_136 : vector<16xi32>
        %select_n3A_138 = arith.select %ge3A_134, %shift_right_logical3A_115, %and3A_137 : vector<16xi1>, vector<16xi32>
        %ge3A_139 = arith.constant 49920 : i32
        %ge3A_140 = vector.broadcast %ge3A_139 : i32 to vector<16xi32>
        %ge3A_141 = arith.cmpi sge, %gather3A_90, %ge3A_140 : vector<16xi32>
        %shift_right_logical3A_142 = arith.constant 16 : i32
        %shift_right_logical3A_143 = vector.broadcast %shift_right_logical3A_142 : i32 to vector<16xi32>
        %shift_right_logical3A_144 = arith.shrui %get3A_132, %shift_right_logical3A_143 : vector<16xi32>
        %select_n3A_145 = arith.select %ge3A_141, %shift_right_logical3A_129, %shift_right_logical3A_144 : vector<16xi1>, vector<16xi32>
        %shift_left3A = arith.constant 16 : i32
        %shift_left3A_146 = vector.broadcast %shift_left3A : i32 to vector<16xi32>
        %shift_left3A_147 = arith.shli %select_n3A_145, %shift_left3A_146 : vector<16xi32>
        %or3A = arith.ori %select_n3A_138, %shift_left3A_147 : vector<16xi32>
        %mul3A_148 = arith.constant 16 : i32
        %mul3A_149 = arith.muli %mul3A_148, %scan3A_79 : i32
        %swap3A = arith.index_cast %mul3A_149 : i32 to index
        %swap3A_150 = tpu.vector_load %arg8[%swap3A] {strides = array<i32>} : memref<2048xi32, #tpu.memory_space<vmem>>, vector<16xi32>,
        tpu.vector_store %arg8[%swap3A], %or3A {strides = array<i32>} : memref<2048xi32, #tpu.memory_space<vmem>>, vector<16xi32>,
      }
      %scan3A_72 = arith.constant 128 : i32
      %add3A_73 = arith.constant 1 : i32
      %add3A_74 = arith.addi %while3A_26, %add3A_73 : i32
      %lt3A_75 = arith.cmpi slt, %add3A_74, %add3A_4 : i32
      %convert_element_type3A_76 = arith.extui %lt3A_75 : i1 to i32
      %cond3A_77 = arith.constant 0 : i32
      %cond3A_78 = arith.cmpi ne, %convert_element_type3A_76, %cond3A_77 : i32
      scf.if %cond3A_78 {
        %add3A_79 = arith.constant 1 : i32
        %add3A_80 = arith.addi %while3A_26, %add3A_79 : i32
        %dma_start3A_81 = arith.constant 49920 : i32
        %dma_start3A_82 = tpu.memref_slice %arg2[%add3A_80, %dma_start3A_81] : memref<832x100000xf32, #tpu.memory_space<hbm>> -> memref<1x50080xf32, #tpu.memory_space<hbm>>
        %dma_start3A_83 = tpu.memref_squeeze %dma_start3A_82 : memref<1x50080xf32, #tpu.memory_space<hbm>> -> memref<50080xf32, #tpu.memory_space<hbm>>
        %dma_start3A_84 = arith.constant 49920 : i32
        %dma_start3A_85 = tpu.memref_slice %arg2[%add3A_80, %dma_start3A_84] : memref<832x100000xf32, #tpu.memory_space<hbm>> -> memref<1x50080xf32, #tpu.memory_space<hbm>>
        %dma_start3A_86 = tpu.memref_squeeze %dma_start3A_85 : memref<1x50080xf32, #tpu.memory_space<hbm>> -> memref<50080xf32, #tpu.memory_space<hbm>>
        tpu.enqueue_dma source(%dma_start3A_86 : memref<50080xf32, #tpu.memory_space<hbm>>) target(%arg6 : memref<50080xf32, #tpu.memory_space<vmem>>) target_semaphore(%arg10 : memref<!tpu.dma_semaphore, #tpu.memory_space<semaphore_mem>>)
      } else {
      }
      "tpu.region"() ({
        %run_scoped3A = tpu.sem_alloc : memref<!tpu.dma_semaphore, #tpu.memory_space<semaphore_mem>>
        %dma_start3A_79 = arith.constant 0 : i32
        %dma_start3A_80 = tpu.memref_slice %arg4[%while3A_26, %dma_start3A_79] : memref<832x2048xi32, #tpu.memory_space<hbm>> -> memref<1x2048xi32, #tpu.memory_space<hbm>>
        %dma_start3A_81 = tpu.memref_squeeze %dma_start3A_80 : memref<1x2048xi32, #tpu.memory_space<hbm>> -> memref<2048xi32, #tpu.memory_space<hbm>>
        %dma_start3A_82 = arith.constant 0 : i32
        %dma_start3A_83 = tpu.memref_slice %arg4[%while3A_26, %dma_start3A_82] : memref<832x2048xi32, #tpu.memory_space<hbm>> -> memref<1x2048xi32, #tpu.memory_space<hbm>>
        %dma_start3A_84 = tpu.memref_squeeze %dma_start3A_83 : memref<1x2048xi32, #tpu.memory_space<hbm>> -> memref<2048xi32, #tpu.memory_space<hbm>>
        tpu.enqueue_dma source(%arg8 : memref<2048xi32, #tpu.memory_space<vmem>>) target(%dma_start3A_84 : memref<2048xi32, #tpu.memory_space<hbm>>) target_semaphore(%run_scoped3A : memref<!tpu.dma_semaphore, #tpu.memory_space<semaphore_mem>>)
        %dma_wait3A_85 = arith.constant 0 : i32
        %dma_wait3A_86 = tpu.memref_slice %arg4[%while3A_26, %dma_wait3A_85] : memref<832x2048xi32, #tpu.memory_space<hbm>> -> memref<1x2048xi32, #tpu.memory_space<hbm>>
        %dma_wait3A_87 = tpu.memref_squeeze %dma_wait3A_86 : memref<1x2048xi32, #tpu.memory_space<hbm>> -> memref<2048xi32, #tpu.memory_space<hbm>>
        %dma_wait3A_88 = arith.constant 0 : i32
        %dma_wait3A_89 = tpu.memref_slice %arg4[%while3A_26, %dma_wait3A_88] : memref<832x2048xi32, #tpu.memory_space<hbm>> -> memref<1x2048xi32, #tpu.memory_space<hbm>>
        %dma_wait3A_90 = tpu.memref_squeeze %dma_wait3A_89 : memref<1x2048xi32, #tpu.memory_space<hbm>> -> memref<2048xi32, #tpu.memory_space<hbm>>
        tpu.wait_dma2 semaphore(%run_scoped3A : memref<!tpu.dma_semaphore, #tpu.memory_space<semaphore_mem>>) src(%arg8 : memref<2048xi32, #tpu.memory_space<vmem>>) dst(%dma_wait3A_90 : memref<2048xi32, #tpu.memory_space<hbm>>)
        tpu.yield
      }) : () -> ()
      scf.yield %select_n3A : i32
    }
    %while3A_24 = arith.constant 1 : i32
    %while3A_25 = scf.for %while3A_26 = %while3A_21 to %while3A_17 step %while3A_24 iter_args(%while3A_27 = %while3A_23) -> (i32)  : i32 {
      %jit3A = arith.constant 32 : i32
      %div3A = arith.divsi %while3A_26, %jit3A : i32
      %sign3A = arith.constant 0 : i32
      %sign3A_28 = arith.cmpi sgt, %while3A_26, %sign3A : i32
      %sign3A_29 = arith.extui %sign3A_28 : i1 to i32
      %sign3A_30 = arith.constant 0 : i32
      %sign3A_31 = arith.cmpi slt, %while3A_26, %sign3A_30 : i32
      %sign3A_32 = arith.extui %sign3A_31 : i1 to i32
      %sign3A_33 = arith.subi %sign3A_29, %sign3A_32 : i32
      %sign3A_34 = arith.constant 0 : i32
      %sign3A_35 = arith.cmpi sgt, %jit3A, %sign3A_34 : i32
      %sign3A_36 = arith.extui %sign3A_35 : i1 to i32
      %sign3A_37 = arith.constant 0 : i32
      %sign3A_38 = arith.cmpi slt, %jit3A, %sign3A_37 : i32
      %sign3A_39 = arith.extui %sign3A_38 : i1 to i32
      %sign3A_40 = arith.subi %sign3A_36, %sign3A_39 : i32
      %ne3A = arith.cmpi ne, %sign3A_33, %sign3A_40 : i32
      %rem3A = arith.remsi %while3A_26, %jit3A : i32
      %ne3A_41 = arith.constant 0 : i32
      %ne3A_42 = arith.cmpi ne, %rem3A, %ne3A_41 : i32
      %and3A = arith.andi %ne3A, %ne3A_42 : i1
      %sub3A = arith.constant 1 : i32
      %sub3A_43 = arith.subi %div3A, %sub3A : i32
      %select_n3A = arith.select %and3A, %sub3A_43, %div3A : i32
      %ne3A_44 = arith.cmpi ne, %select_n3A, %while3A_27 : i32
      %convert_element_type3A = arith.extui %ne3A_44 : i1 to i32
      %cond3A = arith.constant 0 : i32
      %cond3A_45 = arith.cmpi ne, %convert_element_type3A, %cond3A : i32
      scf.if %cond3A_45 {
        "tpu.region"() ({
          %run_scoped3A = tpu.sem_alloc : memref<!tpu.dma_semaphore, #tpu.memory_space<semaphore_mem>>
          %dma_start3A_79 = arith.constant 0 : i32
          %dma_start3A_80 = tpu.memref_slice %arg3[%select_n3A, %dma_start3A_79] : memref<26x4096xi32, #tpu.memory_space<hbm>> -> memref<1x4096xi32, #tpu.memory_space<hbm>>
          %dma_start3A_81 = tpu.memref_squeeze %dma_start3A_80 : memref<1x4096xi32, #tpu.memory_space<hbm>> -> memref<4096xi32, #tpu.memory_space<hbm>>
          %dma_start3A_82 = arith.constant 0 : i32
          %dma_start3A_83 = tpu.memref_slice %arg3[%select_n3A, %dma_start3A_82] : memref<26x4096xi32, #tpu.memory_space<hbm>> -> memref<1x4096xi32, #tpu.memory_space<hbm>>
          %dma_start3A_84 = tpu.memref_squeeze %dma_start3A_83 : memref<1x4096xi32, #tpu.memory_space<hbm>> -> memref<4096xi32, #tpu.memory_space<hbm>>
          tpu.enqueue_dma source(%dma_start3A_84 : memref<4096xi32, #tpu.memory_space<hbm>>) target(%arg7 : memref<4096xi32, #tpu.memory_space<vmem>>) target_semaphore(%run_scoped3A : memref<!tpu.dma_semaphore, #tpu.memory_space<semaphore_mem>>)
          %dma_wait3A_85 = arith.constant 0 : i32
          %dma_wait3A_86 = tpu.memref_slice %arg3[%select_n3A, %dma_wait3A_85] : memref<26x4096xi32, #tpu.memory_space<hbm>> -> memref<1x4096xi32, #tpu.memory_space<hbm>>
          %dma_wait3A_87 = tpu.memref_squeeze %dma_wait3A_86 : memref<1x4096xi32, #tpu.memory_space<hbm>> -> memref<4096xi32, #tpu.memory_space<hbm>>
          %dma_wait3A_88 = arith.constant 0 : i32
          %dma_wait3A_89 = tpu.memref_slice %arg3[%select_n3A, %dma_wait3A_88] : memref<26x4096xi32, #tpu.memory_space<hbm>> -> memref<1x4096xi32, #tpu.memory_space<hbm>>
          %dma_wait3A_90 = tpu.memref_squeeze %dma_wait3A_89 : memref<1x4096xi32, #tpu.memory_space<hbm>> -> memref<4096xi32, #tpu.memory_space<hbm>>
          tpu.wait_dma2 semaphore(%run_scoped3A : memref<!tpu.dma_semaphore, #tpu.memory_space<semaphore_mem>>) src(%dma_wait3A_90 : memref<4096xi32, #tpu.memory_space<hbm>>) dst(%arg7 : memref<4096xi32, #tpu.memory_space<vmem>>)
          tpu.yield
        }) : () -> ()
      } else {
      }
      %dma_wait3A = arith.constant 0 : i32
      %dma_wait3A_46 = tpu.memref_slice %arg2[%while3A_26, %dma_wait3A] : memref<832x100000xf32, #tpu.memory_space<hbm>> -> memref<1x49920xf32, #tpu.memory_space<hbm>>
      %dma_wait3A_47 = tpu.memref_squeeze %dma_wait3A_46 : memref<1x49920xf32, #tpu.memory_space<hbm>> -> memref<49920xf32, #tpu.memory_space<hbm>>
      %dma_wait3A_48 = arith.constant 0 : i32
      %dma_wait3A_49 = tpu.memref_slice %arg2[%while3A_26, %dma_wait3A_48] : memref<832x100000xf32, #tpu.memory_space<hbm>> -> memref<1x49920xf32, #tpu.memory_space<hbm>>
      %dma_wait3A_50 = tpu.memref_squeeze %dma_wait3A_49 : memref<1x49920xf32, #tpu.memory_space<hbm>> -> memref<49920xf32, #tpu.memory_space<hbm>>
      tpu.wait_dma2 semaphore(%arg9 : memref<!tpu.dma_semaphore, #tpu.memory_space<semaphore_mem>>) src(%dma_wait3A_50 : memref<49920xf32, #tpu.memory_space<hbm>>) dst(%arg5 : memref<49920xf32, #tpu.memory_space<vmem>>)
      %scan3A = arith.constant 0 : i32
      %scan3A_51 = arith.constant 0 : i32
      %scan3A_52 = arith.constant 128 : i32
      %scan3A_53 = arith.addi %scan3A_51, %scan3A_52 : i32
      %scan3A_54 = arith.constant 1 : i32
      scf.for %scan3A_79 = %scan3A_51 to %scan3A_53 step %scan3A_54  : i32 {
        %mul3A_80 = arith.constant 32 : i32
        %mul3A_81 = arith.muli %mul3A_80, %scan3A_79 : i32
        %mul3A_82 = arith.constant 2 : i32
        %mul3A_83 = vector.broadcast %mul3A_82 : i32 to vector<16xi32>
        %mul3A_84 = arith.muli %mul3A_83, %iota3A : vector<16xi32>
        %add3A_85 = vector.broadcast %mul3A_81 : i32 to vector<16xi32>
        %add3A_86 = arith.addi %add3A_85, %mul3A_84 : vector<16xi32>
        %gather3A = tpu.vector_load_idx %arg7[%add3A_86] : memref<4096xi32, #tpu.memory_space<vmem>>[vector<16xi32>], vector<16xi32>,
        %add3A_87 = arith.constant 1 : i32
        %add3A_88 = vector.broadcast %add3A_87 : i32 to vector<16xi32>
        %add3A_89 = arith.addi %add3A_86, %add3A_88 : vector<16xi32>
        %gather3A_90 = tpu.vector_load_idx %arg7[%add3A_89] : memref<4096xi32, #tpu.memory_space<vmem>>[vector<16xi32>], vector<16xi32>,
        %min3A = arith.constant 49919 : i32
        %min3A_91 = vector.broadcast %min3A : i32 to vector<16xi32>
        %min3A_92 = arith.minsi %gather3A, %min3A_91 : vector<16xi32>
        %gather3A_93 = tpu.vector_load_idx %arg5[%min3A_92] : memref<49920xf32, #tpu.memory_space<vmem>>[vector<16xi32>], vector<16xf32>,
        %min3A_94 = arith.constant 49919 : i32
        %min3A_95 = vector.broadcast %min3A_94 : i32 to vector<16xi32>
        %min3A_96 = arith.minsi %gather3A_90, %min3A_95 : vector<16xi32>
        %gather3A_97 = tpu.vector_load_idx %arg5[%min3A_96] : memref<49920xf32, #tpu.memory_space<vmem>>[vector<16xi32>], vector<16xf32>,
        %bitcast3A = vector.bitcast %gather3A_93 : vector<16xf32> to vector<16xi32>
        %shift_right_logical3A = arith.constant 16 : i32
        %shift_right_logical3A_98 = vector.broadcast %shift_right_logical3A : i32 to vector<16xi32>
        %shift_right_logical3A_99 = arith.shrui %bitcast3A, %shift_right_logical3A_98 : vector<16xi32>
        %and3A_100 = arith.constant 1 : i32
        %and3A_101 = vector.broadcast %and3A_100 : i32 to vector<16xi32>
        %and3A_102 = arith.andi %shift_right_logical3A_99, %and3A_101 : vector<16xi32>
        %add3A_103 = arith.constant 32767 : i32
        %add3A_104 = vector.broadcast %add3A_103 : i32 to vector<16xi32>
        %add3A_105 = arith.addi %bitcast3A, %add3A_104 : vector<16xi32>
        %add3A_106 = arith.addi %add3A_105, %and3A_102 : vector<16xi32>
        %shift_right_logical3A_107 = arith.constant 16 : i32
        %shift_right_logical3A_108 = vector.broadcast %shift_right_logical3A_107 : i32 to vector<16xi32>
        %shift_right_logical3A_109 = arith.shrui %add3A_106, %shift_right_logical3A_108 : vector<16xi32>
        %bitcast3A_110 = vector.bitcast %gather3A_97 : vector<16xf32> to vector<16xi32>
        %shift_right_logical3A_111 = arith.constant 16 : i32
        %shift_right_logical3A_112 = vector.broadcast %shift_right_logical3A_111 : i32 to vector<16xi32>
        %shift_right_logical3A_113 = arith.shrui %bitcast3A_110, %shift_right_logical3A_112 : vector<16xi32>
        %and3A_114 = arith.constant 1 : i32
        %and3A_115 = vector.broadcast %and3A_114 : i32 to vector<16xi32>
        %and3A_116 = arith.andi %shift_right_logical3A_113, %and3A_115 : vector<16xi32>
        %add3A_117 = arith.constant 32767 : i32
        %add3A_118 = vector.broadcast %add3A_117 : i32 to vector<16xi32>
        %add3A_119 = arith.addi %bitcast3A_110, %add3A_118 : vector<16xi32>
        %add3A_120 = arith.addi %add3A_119, %and3A_116 : vector<16xi32>
        %shift_right_logical3A_121 = arith.constant 16 : i32
        %shift_right_logical3A_122 = vector.broadcast %shift_right_logical3A_121 : i32 to vector<16xi32>
        %shift_right_logical3A_123 = arith.shrui %add3A_120, %shift_right_logical3A_122 : vector<16xi32>
        %shift_left3A = arith.constant 16 : i32
        %shift_left3A_124 = vector.broadcast %shift_left3A : i32 to vector<16xi32>
        %shift_left3A_125 = arith.shli %shift_right_logical3A_123, %shift_left3A_124 : vector<16xi32>
        %or3A = arith.ori %shift_right_logical3A_109, %shift_left3A_125 : vector<16xi32>
        %mul3A_126 = arith.constant 16 : i32
        %mul3A_127 = arith.muli %mul3A_126, %scan3A_79 : i32
        %swap3A = arith.index_cast %mul3A_127 : i32 to index
        %swap3A_128 = tpu.vector_load %arg8[%swap3A] {strides = array<i32>} : memref<2048xi32, #tpu.memory_space<vmem>>, vector<16xi32>,
        tpu.vector_store %arg8[%swap3A], %or3A {strides = array<i32>} : memref<2048xi32, #tpu.memory_space<vmem>>, vector<16xi32>,
      }
      %scan3A_55 = arith.constant 128 : i32
      %add3A_56 = arith.constant 1 : i32
      %add3A_57 = arith.addi %while3A_26, %add3A_56 : i32
      %lt3A = arith.cmpi slt, %add3A_57, %add3A_4 : i32
      %convert_element_type3A_58 = arith.extui %lt3A : i1 to i32
      %cond3A_59 = arith.constant 0 : i32
      %cond3A_60 = arith.cmpi ne, %convert_element_type3A_58, %cond3A_59 : i32
      scf.if %cond3A_60 {
        %add3A_79 = arith.constant 1 : i32
        %add3A_80 = arith.addi %while3A_26, %add3A_79 : i32
        %dma_start3A_81 = arith.constant 0 : i32
        %dma_start3A_82 = tpu.memref_slice %arg2[%add3A_80, %dma_start3A_81] : memref<832x100000xf32, #tpu.memory_space<hbm>> -> memref<1x49920xf32, #tpu.memory_space<hbm>>
        %dma_start3A_83 = tpu.memref_squeeze %dma_start3A_82 : memref<1x49920xf32, #tpu.memory_space<hbm>> -> memref<49920xf32, #tpu.memory_space<hbm>>
        %dma_start3A_84 = arith.constant 0 : i32
        %dma_start3A_85 = tpu.memref_slice %arg2[%add3A_80, %dma_start3A_84] : memref<832x100000xf32, #tpu.memory_space<hbm>> -> memref<1x49920xf32, #tpu.memory_space<hbm>>
        %dma_start3A_86 = tpu.memref_squeeze %dma_start3A_85 : memref<1x49920xf32, #tpu.memory_space<hbm>> -> memref<49920xf32, #tpu.memory_space<hbm>>
        tpu.enqueue_dma source(%dma_start3A_86 : memref<49920xf32, #tpu.memory_space<hbm>>) target(%arg5 : memref<49920xf32, #tpu.memory_space<vmem>>) target_semaphore(%arg9 : memref<!tpu.dma_semaphore, #tpu.memory_space<semaphore_mem>>)
      } else {
      }
      %dma_wait3A_61 = arith.constant 49920 : i32
      %dma_wait3A_62 = tpu.memref_slice %arg2[%while3A_26, %dma_wait3A_61] : memref<832x100000xf32, #tpu.memory_space<hbm>> -> memref<1x50080xf32, #tpu.memory_space<hbm>>
      %dma_wait3A_63 = tpu.memref_squeeze %dma_wait3A_62 : memref<1x50080xf32, #tpu.memory_space<hbm>> -> memref<50080xf32, #tpu.memory_space<hbm>>
      %dma_wait3A_64 = arith.constant 49920 : i32
      %dma_wait3A_65 = tpu.memref_slice %arg2[%while3A_26, %dma_wait3A_64] : memref<832x100000xf32, #tpu.memory_space<hbm>> -> memref<1x50080xf32, #tpu.memory_space<hbm>>
      %dma_wait3A_66 = tpu.memref_squeeze %dma_wait3A_65 : memref<1x50080xf32, #tpu.memory_space<hbm>> -> memref<50080xf32, #tpu.memory_space<hbm>>
      tpu.wait_dma2 semaphore(%arg10 : memref<!tpu.dma_semaphore, #tpu.memory_space<semaphore_mem>>) src(%dma_wait3A_66 : memref<50080xf32, #tpu.memory_space<hbm>>) dst(%arg6 : memref<50080xf32, #tpu.memory_space<vmem>>)
      %scan3A_67 = arith.constant 0 : i32
      %scan3A_68 = arith.constant 0 : i32
      %scan3A_69 = arith.constant 128 : i32
      %scan3A_70 = arith.addi %scan3A_68, %scan3A_69 : i32
      %scan3A_71 = arith.constant 1 : i32
      scf.for %scan3A_79 = %scan3A_68 to %scan3A_70 step %scan3A_71  : i32 {
        %mul3A_80 = arith.constant 32 : i32
        %mul3A_81 = arith.muli %mul3A_80, %scan3A_79 : i32
        %mul3A_82 = arith.constant 2 : i32
        %mul3A_83 = vector.broadcast %mul3A_82 : i32 to vector<16xi32>
        %mul3A_84 = arith.muli %mul3A_83, %iota3A : vector<16xi32>
        %add3A_85 = vector.broadcast %mul3A_81 : i32 to vector<16xi32>
        %add3A_86 = arith.addi %add3A_85, %mul3A_84 : vector<16xi32>
        %gather3A = tpu.vector_load_idx %arg7[%add3A_86] : memref<4096xi32, #tpu.memory_space<vmem>>[vector<16xi32>], vector<16xi32>,
        %add3A_87 = arith.constant 1 : i32
        %add3A_88 = vector.broadcast %add3A_87 : i32 to vector<16xi32>
        %add3A_89 = arith.addi %add3A_86, %add3A_88 : vector<16xi32>
        %gather3A_90 = tpu.vector_load_idx %arg7[%add3A_89] : memref<4096xi32, #tpu.memory_space<vmem>>[vector<16xi32>], vector<16xi32>,
        %sub3A_91 = arith.constant 49920 : i32
        %sub3A_92 = vector.broadcast %sub3A_91 : i32 to vector<16xi32>
        %sub3A_93 = arith.subi %gather3A, %sub3A_92 : vector<16xi32>
        %max3A = arith.constant 0 : i32
        %max3A_94 = vector.broadcast %max3A : i32 to vector<16xi32>
        %max3A_95 = arith.maxsi %sub3A_93, %max3A_94 : vector<16xi32>
        %gather3A_96 = tpu.vector_load_idx %arg6[%max3A_95] : memref<50080xf32, #tpu.memory_space<vmem>>[vector<16xi32>], vector<16xf32>,
        %sub3A_97 = arith.constant 49920 : i32
        %sub3A_98 = vector.broadcast %sub3A_97 : i32 to vector<16xi32>
        %sub3A_99 = arith.subi %gather3A_90, %sub3A_98 : vector<16xi32>
        %max3A_100 = arith.constant 0 : i32
        %max3A_101 = vector.broadcast %max3A_100 : i32 to vector<16xi32>
        %max3A_102 = arith.maxsi %sub3A_99, %max3A_101 : vector<16xi32>
        %gather3A_103 = tpu.vector_load_idx %arg6[%max3A_102] : memref<50080xf32, #tpu.memory_space<vmem>>[vector<16xi32>], vector<16xf32>,
        %bitcast3A = vector.bitcast %gather3A_96 : vector<16xf32> to vector<16xi32>
        %shift_right_logical3A = arith.constant 16 : i32
        %shift_right_logical3A_104 = vector.broadcast %shift_right_logical3A : i32 to vector<16xi32>
        %shift_right_logical3A_105 = arith.shrui %bitcast3A, %shift_right_logical3A_104 : vector<16xi32>
        %and3A_106 = arith.constant 1 : i32
        %and3A_107 = vector.broadcast %and3A_106 : i32 to vector<16xi32>
        %and3A_108 = arith.andi %shift_right_logical3A_105, %and3A_107 : vector<16xi32>
        %add3A_109 = arith.constant 32767 : i32
        %add3A_110 = vector.broadcast %add3A_109 : i32 to vector<16xi32>
        %add3A_111 = arith.addi %bitcast3A, %add3A_110 : vector<16xi32>
        %add3A_112 = arith.addi %add3A_111, %and3A_108 : vector<16xi32>
        %shift_right_logical3A_113 = arith.constant 16 : i32
        %shift_right_logical3A_114 = vector.broadcast %shift_right_logical3A_113 : i32 to vector<16xi32>
        %shift_right_logical3A_115 = arith.shrui %add3A_112, %shift_right_logical3A_114 : vector<16xi32>
        %bitcast3A_116 = vector.bitcast %gather3A_103 : vector<16xf32> to vector<16xi32>
        %shift_right_logical3A_117 = arith.constant 16 : i32
        %shift_right_logical3A_118 = vector.broadcast %shift_right_logical3A_117 : i32 to vector<16xi32>
        %shift_right_logical3A_119 = arith.shrui %bitcast3A_116, %shift_right_logical3A_118 : vector<16xi32>
        %and3A_120 = arith.constant 1 : i32
        %and3A_121 = vector.broadcast %and3A_120 : i32 to vector<16xi32>
        %and3A_122 = arith.andi %shift_right_logical3A_119, %and3A_121 : vector<16xi32>
        %add3A_123 = arith.constant 32767 : i32
        %add3A_124 = vector.broadcast %add3A_123 : i32 to vector<16xi32>
        %add3A_125 = arith.addi %bitcast3A_116, %add3A_124 : vector<16xi32>
        %add3A_126 = arith.addi %add3A_125, %and3A_122 : vector<16xi32>
        %shift_right_logical3A_127 = arith.constant 16 : i32
        %shift_right_logical3A_128 = vector.broadcast %shift_right_logical3A_127 : i32 to vector<16xi32>
        %shift_right_logical3A_129 = arith.shrui %add3A_126, %shift_right_logical3A_128 : vector<16xi32>
        %mul3A_130 = arith.constant 16 : i32
        %mul3A_131 = arith.muli %mul3A_130, %scan3A_79 : i32
        %get3A = arith.index_cast %mul3A_131 : i32 to index
        %get3A_132 = tpu.vector_load %arg8[%get3A] {strides = array<i32>} : memref<2048xi32, #tpu.memory_space<vmem>>, vector<16xi32>,
        %ge3A = arith.constant 49920 : i32
        %ge3A_133 = vector.broadcast %ge3A : i32 to vector<16xi32>
        %ge3A_134 = arith.cmpi sge, %gather3A, %ge3A_133 : vector<16xi32>
        %and3A_135 = arith.constant 65535 : i32
        %and3A_136 = vector.broadcast %and3A_135 : i32 to vector<16xi32>
        %and3A_137 = arith.andi %get3A_132, %and3A_136 : vector<16xi32>
        %select_n3A_138 = arith.select %ge3A_134, %shift_right_logical3A_115, %and3A_137 : vector<16xi1>, vector<16xi32>
        %ge3A_139 = arith.constant 49920 : i32
        %ge3A_140 = vector.broadcast %ge3A_139 : i32 to vector<16xi32>
        %ge3A_141 = arith.cmpi sge, %gather3A_90, %ge3A_140 : vector<16xi32>
        %shift_right_logical3A_142 = arith.constant 16 : i32
        %shift_right_logical3A_143 = vector.broadcast %shift_right_logical3A_142 : i32 to vector<16xi32>
        %shift_right_logical3A_144 = arith.shrui %get3A_132, %shift_right_logical3A_143 : vector<16xi32>
        %select_n3A_145 = arith.select %ge3A_141, %shift_right_logical3A_129, %shift_right_logical3A_144 : vector<16xi1>, vector<16xi32>
        %shift_left3A = arith.constant 16 : i32
        %shift_left3A_146 = vector.broadcast %shift_left3A : i32 to vector<16xi32>
        %shift_left3A_147 = arith.shli %select_n3A_145, %shift_left3A_146 : vector<16xi32>
        %or3A = arith.ori %select_n3A_138, %shift_left3A_147 : vector<16xi32>
        %mul3A_148 = arith.constant 16 : i32
        %mul3A_149 = arith.muli %mul3A_148, %scan3A_79 : i32
        %swap3A = arith.index_cast %mul3A_149 : i32 to index
        %swap3A_150 = tpu.vector_load %arg8[%swap3A] {strides = array<i32>} : memref<2048xi32, #tpu.memory_space<vmem>>, vector<16xi32>,
        tpu.vector_store %arg8[%swap3A], %or3A {strides = array<i32>} : memref<2048xi32, #tpu.memory_space<vmem>>, vector<16xi32>,
      }
      %scan3A_72 = arith.constant 128 : i32
      %add3A_73 = arith.constant 1 : i32
      %add3A_74 = arith.addi %while3A_26, %add3A_73 : i32
      %lt3A_75 = arith.cmpi slt, %add3A_74, %add3A_4 : i32
      %convert_element_type3A_76 = arith.extui %lt3A_75 : i1 to i32
      %cond3A_77 = arith.constant 0 : i32
      %cond3A_78 = arith.cmpi ne, %convert_element_type3A_76, %cond3A_77 : i32
      scf.if %cond3A_78 {
        %add3A_79 = arith.constant 1 : i32
        %add3A_80 = arith.addi %while3A_26, %add3A_79 : i32
        %dma_start3A_81 = arith.constant 49920 : i32
        %dma_start3A_82 = tpu.memref_slice %arg2[%add3A_80, %dma_start3A_81] : memref<832x100000xf32, #tpu.memory_space<hbm>> -> memref<1x50080xf32, #tpu.memory_space<hbm>>
        %dma_start3A_83 = tpu.memref_squeeze %dma_start3A_82 : memref<1x50080xf32, #tpu.memory_space<hbm>> -> memref<50080xf32, #tpu.memory_space<hbm>>
        %dma_start3A_84 = arith.constant 49920 : i32
        %dma_start3A_85 = tpu.memref_slice %arg2[%add3A_80, %dma_start3A_84] : memref<832x100000xf32, #tpu.memory_space<hbm>> -> memref<1x50080xf32, #tpu.memory_space<hbm>>
        %dma_start3A_86 = tpu.memref_squeeze %dma_start3A_85 : memref<1x50080xf32, #tpu.memory_space<hbm>> -> memref<50080xf32, #tpu.memory_space<hbm>>
        tpu.enqueue_dma source(%dma_start3A_86 : memref<50080xf32, #tpu.memory_space<hbm>>) target(%arg6 : memref<50080xf32, #tpu.memory_space<vmem>>) target_semaphore(%arg10 : memref<!tpu.dma_semaphore, #tpu.memory_space<semaphore_mem>>)
      } else {
      }
      "tpu.region"() ({
        %run_scoped3A = tpu.sem_alloc : memref<!tpu.dma_semaphore, #tpu.memory_space<semaphore_mem>>
        %dma_start3A_79 = arith.constant 0 : i32
        %dma_start3A_80 = tpu.memref_slice %arg4[%while3A_26, %dma_start3A_79] : memref<832x2048xi32, #tpu.memory_space<hbm>> -> memref<1x2048xi32, #tpu.memory_space<hbm>>
        %dma_start3A_81 = tpu.memref_squeeze %dma_start3A_80 : memref<1x2048xi32, #tpu.memory_space<hbm>> -> memref<2048xi32, #tpu.memory_space<hbm>>
        %dma_start3A_82 = arith.constant 0 : i32
        %dma_start3A_83 = tpu.memref_slice %arg4[%while3A_26, %dma_start3A_82] : memref<832x2048xi32, #tpu.memory_space<hbm>> -> memref<1x2048xi32, #tpu.memory_space<hbm>>
        %dma_start3A_84 = tpu.memref_squeeze %dma_start3A_83 : memref<1x2048xi32, #tpu.memory_space<hbm>> -> memref<2048xi32, #tpu.memory_space<hbm>>
        tpu.enqueue_dma source(%arg8 : memref<2048xi32, #tpu.memory_space<vmem>>) target(%dma_start3A_84 : memref<2048xi32, #tpu.memory_space<hbm>>) target_semaphore(%run_scoped3A : memref<!tpu.dma_semaphore, #tpu.memory_space<semaphore_mem>>)
        %dma_wait3A_85 = arith.constant 0 : i32
        %dma_wait3A_86 = tpu.memref_slice %arg4[%while3A_26, %dma_wait3A_85] : memref<832x2048xi32, #tpu.memory_space<hbm>> -> memref<1x2048xi32, #tpu.memory_space<hbm>>
        %dma_wait3A_87 = tpu.memref_squeeze %dma_wait3A_86 : memref<1x2048xi32, #tpu.memory_space<hbm>> -> memref<2048xi32, #tpu.memory_space<hbm>>
        %dma_wait3A_88 = arith.constant 0 : i32
        %dma_wait3A_89 = tpu.memref_slice %arg4[%while3A_26, %dma_wait3A_88] : memref<832x2048xi32, #tpu.memory_space<hbm>> -> memref<1x2048xi32, #tpu.memory_space<hbm>>
        %dma_wait3A_90 = tpu.memref_squeeze %dma_wait3A_89 : memref<1x2048xi32, #tpu.memory_space<hbm>> -> memref<2048xi32, #tpu.memory_space<hbm>>
        tpu.wait_dma2 semaphore(%run_scoped3A : memref<!tpu.dma_semaphore, #tpu.memory_space<semaphore_mem>>) src(%arg8 : memref<2048xi32, #tpu.memory_space<vmem>>) dst(%dma_wait3A_90 : memref<2048xi32, #tpu.memory_space<hbm>>)
        tpu.yield
      }) : () -> ()
      scf.yield %select_n3A : i32
    }
    return
  }
}

module attributes {stable_mosaic.version = 14 : i64} {
  func.func @_mlp_body(%arg0: i32, %arg1: memref<832x1024xi32, #tpu.memory_space<vmem>>, %arg2: memref<16x2048xf32, #tpu.memory_space<vmem>>, %arg3: memref<832x512xf32, #tpu.memory_space<vmem>>, %arg4: memref<16x512xf32, #tpu.memory_space<vmem>>, %arg5: memref<512x1xf32, #tpu.memory_space<vmem>>, %arg6: memref<512x256xf32, #tpu.memory_space<vmem>>, %arg7: memref<256x1xf32, #tpu.memory_space<vmem>>, %arg8: memref<256x128xf32, #tpu.memory_space<vmem>>, %arg9: memref<128x1xf32, #tpu.memory_space<vmem>>, %arg10: memref<128x1xf32, #tpu.memory_space<vmem>>, %arg11: memref<1x1xf32, #tpu.memory_space<vmem>>, %arg12: memref<1x2048xf32, #tpu.memory_space<vmem>>) attributes {dimension_semantics = [#tpu.dimension_semantics<arbitrary>], iteration_bounds = array<i64: 2>, scalar_prefetch = 0 : i64, scratch_operands = 0 : i64, tpu.core_type = #tpu.core_type<tc>, window_params = [{transform_indices = @transform_0, window_bounds = array<i64: 832, 1024>}, {transform_indices = @transform_1, window_bounds = array<i64: 16, 2048>}, {pipeline_mode = #tpu.pipeline_mode<synchronous>, transform_indices = @transform_2, window_bounds = array<i64: 832, 512>}, {pipeline_mode = #tpu.pipeline_mode<synchronous>, transform_indices = @transform_3, window_bounds = array<i64: 16, 512>}, {pipeline_mode = #tpu.pipeline_mode<synchronous>, transform_indices = @transform_4, window_bounds = array<i64: 512, 1>}, {pipeline_mode = #tpu.pipeline_mode<synchronous>, transform_indices = @transform_5, window_bounds = array<i64: 512, 256>}, {pipeline_mode = #tpu.pipeline_mode<synchronous>, transform_indices = @transform_6, window_bounds = array<i64: 256, 1>}, {pipeline_mode = #tpu.pipeline_mode<synchronous>, transform_indices = @transform_7, window_bounds = array<i64: 256, 128>}, {pipeline_mode = #tpu.pipeline_mode<synchronous>, transform_indices = @transform_8, window_bounds = array<i64: 128, 1>}, {pipeline_mode = #tpu.pipeline_mode<synchronous>, transform_indices = @transform_9, window_bounds = array<i64: 128, 1>}, {pipeline_mode = #tpu.pipeline_mode<synchronous>, transform_indices = @transform_10, window_bounds = array<i64: 1, 1>}, {transform_indices = @transform_11, window_bounds = array<i64: 1, 2048>}]} {
    %get3A = arith.constant 0 : index
    %get3A_0 = arith.constant 0 : index
    %get3A_1 = vector.load %arg1[%get3A, %get3A_0] : memref<832x1024xi32, #tpu.memory_space<vmem>>, vector<832x1024xi32>
    %shift_left3A = arith.constant 16 : i32
    %shift_left3A_2 = vector.broadcast %shift_left3A : i32 to vector<832x1024xi32>
    %shift_left3A_3 = arith.shli %get3A_1, %shift_left3A_2 : vector<832x1024xi32>
    %bitcast_convert_type3A = tpu.bitcast %shift_left3A_3 : vector<832x1024xi32> -> vector<832x1024xf32>
    %and3A = arith.constant -65536 : i32
    %and3A_4 = vector.broadcast %and3A : i32 to vector<832x1024xi32>
    %and3A_5 = arith.andi %get3A_1, %and3A_4 : vector<832x1024xi32>
    %bitcast_convert_type3A_6 = tpu.bitcast %and3A_5 : vector<832x1024xi32> -> vector<832x1024xf32>
    %concatenate3A = tpu.concatenate %bitcast_convert_type3A, %bitcast_convert_type3A_6 in 1 : vector<832x1024xf32>, vector<832x1024xf32> -> vector<832x2048xf32>
    %convert_element_type3A = arith.truncf %concatenate3A : vector<832x2048xf32> to vector<832x2048xbf16>
    %get3A_7 = arith.constant 0 : index
    %get3A_8 = arith.constant 0 : index
    %get3A_9 = vector.load %arg3[%get3A_7, %get3A_8] : memref<832x512xf32, #tpu.memory_space<vmem>>, vector<832x512xf32>
    %convert_element_type3A_10 = arith.truncf %get3A_9 : vector<832x512xf32> to vector<832x512xbf16>
    %dot_general3A = arith.constant dense<0.000000e+00> : vector<512x2048xf32>
    %dot_general3A_11 = tpu.matmul %convert_element_type3A_10, %convert_element_type3A, %dot_general3A {dimension_numbers = #tpu.dot_dimension_numbers<[0], [0], [1], [1], [0, 1, 1, 1], [], []>, transpose_lhs_hint = false} : vector<832x512xbf16>, vector<832x2048xbf16>, vector<512x2048xf32> -> vector<512x2048xf32>
    %get3A_12 = arith.constant 0 : index
    %get3A_13 = arith.constant 0 : index
    %get3A_14 = vector.load %arg4[%get3A_12, %get3A_13] : memref<16x512xf32, #tpu.memory_space<vmem>>, vector<16x512xf32>
    %get3A_15 = arith.constant 0 : index
    %get3A_16 = arith.constant 0 : index
    %get3A_17 = vector.load %arg2[%get3A_15, %get3A_16] : memref<16x2048xf32, #tpu.memory_space<vmem>>, vector<16x2048xf32>
    %dot_general3A_18 = arith.constant dense<0.000000e+00> : vector<512x2048xf32>
    %dot_general3A_19 = tpu.matmul %get3A_14, %get3A_17, %dot_general3A_18 {dimension_numbers = #tpu.dot_dimension_numbers<[0], [0], [1], [1], [0, 1, 1, 1], [], []>, transpose_lhs_hint = false} : vector<16x512xf32>, vector<16x2048xf32>, vector<512x2048xf32> -> vector<512x2048xf32>
    %add3A = arith.addf %dot_general3A_11, %dot_general3A_19 : vector<512x2048xf32>
    %get3A_20 = arith.constant 0 : index
    %get3A_21 = arith.constant 0 : index
    %get3A_22 = vector.load %arg5[%get3A_20, %get3A_21] : memref<512x1xf32, #tpu.memory_space<vmem>>, vector<512x1xf32>
    %add3A_23 = vector.broadcast %get3A_22 : vector<512x1xf32> to vector<512x2048xf32>
    %add3A_24 = arith.addf %add3A, %add3A_23 : vector<512x2048xf32>
    %max3A = arith.constant 0.000000e+00 : f32
    %max3A_25 = vector.broadcast %max3A : f32 to vector<512x2048xf32>
    %max3A_26 = arith.maximumf %add3A_24, %max3A_25 : vector<512x2048xf32>
    %get3A_27 = arith.constant 0 : index
    %get3A_28 = arith.constant 0 : index
    %get3A_29 = vector.load %arg6[%get3A_27, %get3A_28] : memref<512x256xf32, #tpu.memory_space<vmem>>, vector<512x256xf32>
    %dot_general3A_30 = arith.constant dense<0.000000e+00> : vector<256x2048xf32>
    %dot_general3A_31 = tpu.matmul %get3A_29, %max3A_26, %dot_general3A_30 {dimension_numbers = #tpu.dot_dimension_numbers<[0], [0], [1], [1], [0, 1, 1, 1], [], []>, transpose_lhs_hint = false} : vector<512x256xf32>, vector<512x2048xf32>, vector<256x2048xf32> -> vector<256x2048xf32>
    %get3A_32 = arith.constant 0 : index
    %get3A_33 = arith.constant 0 : index
    %get3A_34 = vector.load %arg7[%get3A_32, %get3A_33] : memref<256x1xf32, #tpu.memory_space<vmem>>, vector<256x1xf32>
    %add3A_35 = vector.broadcast %get3A_34 : vector<256x1xf32> to vector<256x2048xf32>
    %add3A_36 = arith.addf %dot_general3A_31, %add3A_35 : vector<256x2048xf32>
    %max3A_37 = arith.constant 0.000000e+00 : f32
    %max3A_38 = vector.broadcast %max3A_37 : f32 to vector<256x2048xf32>
    %max3A_39 = arith.maximumf %add3A_36, %max3A_38 : vector<256x2048xf32>
    %get3A_40 = arith.constant 0 : index
    %get3A_41 = arith.constant 0 : index
    %get3A_42 = vector.load %arg8[%get3A_40, %get3A_41] : memref<256x128xf32, #tpu.memory_space<vmem>>, vector<256x128xf32>
    %dot_general3A_43 = arith.constant dense<0.000000e+00> : vector<128x2048xf32>
    %dot_general3A_44 = tpu.matmul %get3A_42, %max3A_39, %dot_general3A_43 {dimension_numbers = #tpu.dot_dimension_numbers<[0], [0], [1], [1], [0, 1, 1, 1], [], []>, transpose_lhs_hint = false} : vector<256x128xf32>, vector<256x2048xf32>, vector<128x2048xf32> -> vector<128x2048xf32>
    %get3A_45 = arith.constant 0 : index
    %get3A_46 = arith.constant 0 : index
    %get3A_47 = vector.load %arg9[%get3A_45, %get3A_46] : memref<128x1xf32, #tpu.memory_space<vmem>>, vector<128x1xf32>
    %add3A_48 = vector.broadcast %get3A_47 : vector<128x1xf32> to vector<128x2048xf32>
    %add3A_49 = arith.addf %dot_general3A_44, %add3A_48 : vector<128x2048xf32>
    %max3A_50 = arith.constant 0.000000e+00 : f32
    %max3A_51 = vector.broadcast %max3A_50 : f32 to vector<128x2048xf32>
    %max3A_52 = arith.maximumf %add3A_49, %max3A_51 : vector<128x2048xf32>
    %get3A_53 = arith.constant 0 : index
    %get3A_54 = arith.constant 0 : index
    %get3A_55 = vector.load %arg10[%get3A_53, %get3A_54] : memref<128x1xf32, #tpu.memory_space<vmem>>, vector<128x1xf32>
    %dot_general3A_56 = arith.constant dense<0.000000e+00> : vector<1x2048xf32>
    %dot_general3A_57 = tpu.matmul %get3A_55, %max3A_52, %dot_general3A_56 {dimension_numbers = #tpu.dot_dimension_numbers<[0], [0], [1], [1], [0, 1, 1, 1], [], []>, transpose_lhs_hint = false} : vector<128x1xf32>, vector<128x2048xf32>, vector<1x2048xf32> -> vector<1x2048xf32>
    %get3A_58 = arith.constant 0 : index
    %get3A_59 = arith.constant 0 : index
    %get3A_60 = vector.load %arg11[%get3A_58, %get3A_59] : memref<1x1xf32, #tpu.memory_space<vmem>>, vector<1x1xf32>
    %add3A_61 = vector.broadcast %get3A_60 : vector<1x1xf32> to vector<1x2048xf32>
    %add3A_62 = arith.addf %dot_general3A_57, %add3A_61 : vector<1x2048xf32>
    %swap3A = arith.constant 0 : index
    %swap3A_63 = arith.constant 0 : index
    %swap3A_64 = vector.load %arg12[%swap3A, %swap3A_63] : memref<1x2048xf32, #tpu.memory_space<vmem>>, vector<1x2048xf32>
    tpu.vector_store %arg12[%swap3A, %swap3A_63], %add3A_62 {strides = array<i32>} : memref<1x2048xf32, #tpu.memory_space<vmem>>, vector<1x2048xf32>,
    return
  }
  func.func @transform_0(%arg0: i32) -> (i32, i32) {
    %c0_i32 = arith.constant 0 : i32
    %c0_i32_0 = arith.constant 0 : i32
    return %c0_i32, %arg0 : i32, i32
  }
  func.func @transform_1(%arg0: i32) -> (i32, i32) {
    %c0_i32 = arith.constant 0 : i32
    %c0_i32_0 = arith.constant 0 : i32
    return %c0_i32, %arg0 : i32, i32
  }
  func.func @transform_2(%arg0: i32) -> (i32, i32) {
    %c0_i32 = arith.constant 0 : i32
    %c0_i32_0 = arith.constant 0 : i32
    %c0_i32_1 = arith.constant 0 : i32
    return %c0_i32, %c0_i32_0 : i32, i32
  }
  func.func @transform_3(%arg0: i32) -> (i32, i32) {
    %c0_i32 = arith.constant 0 : i32
    %c0_i32_0 = arith.constant 0 : i32
    %c0_i32_1 = arith.constant 0 : i32
    return %c0_i32, %c0_i32_0 : i32, i32
  }
  func.func @transform_4(%arg0: i32) -> (i32, i32) {
    %c0_i32 = arith.constant 0 : i32
    %c0_i32_0 = arith.constant 0 : i32
    %c0_i32_1 = arith.constant 0 : i32
    return %c0_i32, %c0_i32_0 : i32, i32
  }
  func.func @transform_5(%arg0: i32) -> (i32, i32) {
    %c0_i32 = arith.constant 0 : i32
    %c0_i32_0 = arith.constant 0 : i32
    %c0_i32_1 = arith.constant 0 : i32
    return %c0_i32, %c0_i32_0 : i32, i32
  }
  func.func @transform_6(%arg0: i32) -> (i32, i32) {
    %c0_i32 = arith.constant 0 : i32
    %c0_i32_0 = arith.constant 0 : i32
    %c0_i32_1 = arith.constant 0 : i32
    return %c0_i32, %c0_i32_0 : i32, i32
  }
  func.func @transform_7(%arg0: i32) -> (i32, i32) {
    %c0_i32 = arith.constant 0 : i32
    %c0_i32_0 = arith.constant 0 : i32
    %c0_i32_1 = arith.constant 0 : i32
    return %c0_i32, %c0_i32_0 : i32, i32
  }
  func.func @transform_8(%arg0: i32) -> (i32, i32) {
    %c0_i32 = arith.constant 0 : i32
    %c0_i32_0 = arith.constant 0 : i32
    %c0_i32_1 = arith.constant 0 : i32
    return %c0_i32, %c0_i32_0 : i32, i32
  }
  func.func @transform_9(%arg0: i32) -> (i32, i32) {
    %c0_i32 = arith.constant 0 : i32
    %c0_i32_0 = arith.constant 0 : i32
    %c0_i32_1 = arith.constant 0 : i32
    return %c0_i32, %c0_i32_0 : i32, i32
  }
  func.func @transform_10(%arg0: i32) -> (i32, i32) {
    %c0_i32 = arith.constant 0 : i32
    %c0_i32_0 = arith.constant 0 : i32
    %c0_i32_1 = arith.constant 0 : i32
    return %c0_i32, %c0_i32_0 : i32, i32
  }
  func.func @transform_11(%arg0: i32) -> (i32, i32) {
    %c0_i32 = arith.constant 0 : i32
    %c0_i32_0 = arith.constant 0 : i32
    return %c0_i32, %arg0 : i32, i32
  }
}

</mosaic_0001>

<sc_bundles>
// kernel: kernel.4.cloned.1.call-start
scs
__scs_entry_jumppad:
0x0: {  	(pc) =	sbr.rel $0x88, $3  }
0x1: {  	(tag) =	ssettag $0x0;
	lr =	simm.s32 $0x1  }
0x2: {  	[smem:$0x3F96] =	sst lr;
	_ =	strace $0xD0000000  }
0x3: {  	_ = 	snop  }
0x4: {  	_ = 	snop  }
0x5: {  	_ = 	snop  }
0x6: {  	_ = 	snop  }
0x7: {  	_ = 	snop  }
__scs_overlays_trampoline_lowered:
0x8: {  	[smem:$0x3FA5] =	sst s0  }
0x9: {  	[smem:$0x3FA6] =	sst s1  }
0xa: {  	[smem:$0x3FA7] =	sst s2  }
0xb: {  	[smem:$0x3FA8] =	sst s3  }
0xc: {  	[smem:$0x3FA9] =	sst s4  }
0xd: {  	[smem:$0x3FAA] =	sst s5  }
0xe: {  	[smem:$0x3FAB] =	sst s6  }
0xf: {  	[smem:$0x3FAC] =	sst s7  }
0x10: {  	[smem:$0x3FAD] =	sst s8  }
0x11: {  	[smem:$0x3FAE] =	sst s9;
	s0 =	simm.s32 @!p0 $0x0  }
0x12: {  	s1 =	sld [smem:$0x3F94];
	s0 =	simm.s32 @p0 $0x1  }
0x13: {  	[smem:$0x3FAF] =	sst s0;
	s0 =	simm.s32 @!p1 $0x0  }
0x14: {  	s2 =	sld [smem:$0x3F93];
	s0 =	simm.s32 @p1 $0x1  }
0x15: {  	[smem:$0x3FB0] =	sst s0;
	s0 =	simm.s32 @!p2 $0x0  }
0x16: {  	s3 =	sld [smem:$0x3FDB];
	s0 =	simm.s32 @p2 $0x1  }
0x17: {  	s4 =	simm.s32 $0x1BF5;
	[smem:$0x3FB2] =	sst s0  }
0x18: {  	s0 =	sld [smem:$0x3F95];
	_ =	swait.ge [sflag:s4], $0x0  }
0x19: {  	s7 =	sld [smem:$0x3F96]  }
0x1a: {  	s8 =	sadd.s32 $0xFFFFE003, lr  }
0x1b: {  	s9 =	sadd.s32 $0xFFFFFEF7, lr;
	s5 =	simm.s32 $0xFFFFFFFF;
	p2 =	slt.u32 s8, $0xFFFFF086  }
0x1c: {  	p1 =	slt.u32 s9, $0xF7A;
	s5 =	simm.s32 @!p2 $0x0  }
0x1d: {  	s5 =	simm.s32 @p1 $0x1;
	p0 =	seq.s32 s7, s2  }
0x1e: {  	s7 =	smul.u32 @!p0 $0xF7A, s2;
	p2 =	seq.s32 @!p0 s5, $0x0  }
0x1f: {  	s9 =	smul.u32 $0xF7A, s1;
	s8 =	simm.s32 @!p0 $0x1BF5;
	p2 =	por !p2, p0  }
0x20: {  	[sflag:s8] =	ssyncset.s32 @!p0 $0xFFFFF086;
	s6 =	sadd.s32 @!p0 s3, s7;
	s7 =	simm.s32 @!p0 $0x108  }
0x21: {  	s3 =	sadd.s32 s3, s9;
	s6 =	sadd.s32 @!p0 $0x88, s6;
	s7 =	simm.s32 @p2 $0x1082  }
0x22: {  	[simem:s7], [sflag:s8] =	dma.local @!p0 [hbm:s6], $0xF7A  }
0x23: {  	s9 =	sor.u32 $0xD0000000, s2;
	s6 =	simm.s32 $0x108;
	_ =	swait.ge @!p0 [sflag:s8], $0x0  }
0x24: {  	s3 =	sadd.s32 $0x88, s3;
	s6 =	simm.s32 @!p1 $0x1082;
	[sflag:s4] =	ssyncset.s32 $0xFFFFF086  }
0x25: {  	[simem:s6], [sflag:s4] =	dma.local [hbm:s3], $0xF7A  }
0x26: {  	[smem:$0x3F96] =	sst s1;
	(tag) =	ssettag s2;
	_ =	strace s9  }
0x27: {  	s1 =	sld [smem:$0x3FA6]  }
0x28: {  	s2 =	sld [smem:$0x3FA7]  }
0x29: {  	s4 =	sld [smem:$0x3FA9]  }
0x2a: {  	p0 =	seq.s32 s5, $0x0;
	s5 =	sld [smem:$0x3FAA]  }
0x2b: {  	s6 =	sld [smem:$0x3FAB]  }
0x2c: {  	s7 =	sld [smem:$0x3FAC]  }
0x2d: {  	s3 =	simm.s32 $0x108;
	s8 =	sld [smem:$0x3FAD]  }
0x2e: {  	s3 =	simm.s32 @!p0 $0x1082;
	s9 =	sld [smem:$0x3FAE]  }
0x2f: {  	lr =	sadd.s32 s0, s3;
	s0 =	sld [smem:$0x3FA5]  }
0x30: {  	s3 =	sld [smem:$0x3FA8]  }
0x31: {  	[smem:$0x3FB1] =	sst s10  }
0x32: {  	s10 =	sld [smem:$0x3FAF];
	_ =	sdelay $0x3  }
0x33: {  	p0 =	seq.s32 s10, $0x1;
	s10 =	sld [smem:$0x3FB1];
	_ =	sdelay $0x3  }
0x34: {  	[smem:$0x3FB1] =	sst s10  }
0x35: {  	s10 =	sld [smem:$0x3FB0];
	_ =	sdelay $0x3  }
0x36: {  	p1 =	seq.s32 s10, $0x1;
	s10 =	sld [smem:$0x3FB1];
	_ =	sdelay $0x3  }
0x37: {  	[smem:$0x3FB1] =	sst s10  }
0x38: {  	s10 =	sld [smem:$0x3FB2]  }
0x39: {  	_ = 	snop;
	(pc) =	sbr.ind lr, $3  }
0x3a: {  	_ = 	snop  }
0x3b: {  	_ = 	snop  }
0x3c: {  	p2 =	seq.s32 s10, $0x1;
	s10 =	sld [smem:$0x3FB1]  }
0x3d: {  	_ =	shalt  }
0x3e: {  	_ =	shalt  }
0x3f: {  	_ =	shalt  }
0x40: {  	_ =	shalt  }
0x41: {  	_ =	shalt  }
0x42: {  	_ =	shalt  }
0x43: {  	_ =	shalt  }
0x44: {  	_ =	shalt  }
0x45: {  	_ =	shalt  }
0x46: {  	_ =	shalt  }
0x47: {  	_ =	shalt  }
0x48: {  	_ =	shalt  }
0x49: {  	_ =	shalt  }
0x4a: {  	_ =	shalt  }
0x4b: {  	_ =	shalt  }
0x4c: {  	_ =	shalt  }
0x4d: {  	_ =	shalt  }
0x4e: {  	_ =	shalt  }
0x4f: {  	_ =	shalt  }
0x50: {  	_ =	shalt  }
0x51: {  	_ =	shalt  }
0x52: {  	_ =	shalt  }
0x53: {  	_ =	shalt  }
0x54: {  	_ =	shalt  }
0x55: {  	_ =	shalt  }
0x56: {  	_ =	shalt  }
0x57: {  	_ =	shalt  }
0x58: {  	_ =	shalt  }
0x59: {  	_ =	shalt  }
0x5a: {  	_ =	shalt  }
0x5b: {  	_ =	shalt  }
0x5c: {  	_ =	shalt  }
0x5d: {  	_ =	shalt  }
0x5e: {  	_ =	shalt  }
0x5f: {  	_ =	shalt  }
0x60: {  	_ =	shalt  }
0x61: {  	_ =	shalt  }
0x62: {  	_ =	shalt  }
0x63: {  	_ =	shalt  }
0x64: {  	_ =	shalt  }
0x65: {  	_ =	shalt  }
0x66: {  	_ =	shalt  }
0x67: {  	_ =	shalt  }
0x68: {  	_ =	shalt  }
0x69: {  	_ =	shalt  }
0x6a: {  	_ =	shalt  }
0x6b: {  	_ =	shalt  }
0x6c: {  	_ =	shalt  }
0x6d: {  	_ =	shalt  }
0x6e: {  	_ =	shalt  }
0x6f: {  	_ =	shalt  }
0x70: {  	_ =	shalt  }
0x71: {  	_ =	shalt  }
0x72: {  	_ =	shalt  }
0x73: {  	_ =	shalt  }
0x74: {  	_ =	shalt  }
0x75: {  	_ =	shalt  }
0x76: {  	_ =	shalt  }
0x77: {  	_ =	shalt  }
0x78: {  	_ =	shalt  }
0x79: {  	_ =	shalt  }
0x7a: {  	_ =	shalt  }
0x7b: {  	_ =	shalt  }
0x7c: {  	_ =	shalt  }
0x7d: {  	_ =	shalt  }
0x7e: {  	_ =	shalt  }
0x7f: {  	_ =	shalt  }
0x80: {  	_ =	shalt  }
0x81: {  	_ =	shalt  }
0x82: {  	_ =	shalt  }
0x83: {  	_ =	shalt  }
0x84: {  	_ =	shalt  }
0x85: {  	_ =	shalt  }
0x86: {  	_ =	shalt  }
0x87: {  	_ =	shalt  }
.Lfunc_end0:
.L_simem_size_0:
called_computation_lowered:
.L_overlay_start_0:
0x88: {  	s2 =	sld [smem:$0x3FD9]  }
0x89: {  	s3 =	sld [smem:$0x3FFE];
	_ =	sdelay $0x1  }
0x8a: {  	s1 =	srdreg.scid  }
0x8b: {  	s0 =	sand.u32 $0x1, s1  }
0x8c: {  	s17 =	sshll.u32 s0, $0xA;
	s2 =	sadd.s32 s3, s2  }
0x8d: {  	s2 =	sadd.s32 s2, s17  }
0x8e: {  	[smem:$0x3FBD] =	sst s2  }
0x8f: {  	_ = 	snop  }
0x90: {  	s2 =	sld [smem:$0x3FC9]  }
0x91: {  	s18 =	sld [smem:$0x3FC7];
	(tm) =	ssettm $0x1  }
0x92: {  	s4 =	sld [smem:$0x3FFB];
	_ =	sdelay $0x3  }
0x93: {  	_ =	strace s4  }
0x94: {  	s4 =	sld [smem:$0x3FFC];
	_ =	sdelay $0x3  }
0x95: {  	_ =	strace s4  }
0x96: {  	s4 =	sld [smem:$0x3FFD];
	_ =	sdelay $0x3  }
0x97: {  	_ =	strace s4  }
0x98: {  	_ =	strace $0x8FFFFFFF  }
0x99: {  	s19 =	sld [smem:$0x3FDB];
	_ =	sdelay $0x1  }
0x9a: {  	s5 =	simm.s32 $_scs_section_size  }
0x9b: {  	s6 =	simm.s32 $_size__tile_overlayer_lowered;
	s7 =	simm.s32 $_tile_overlayer_lowered  }
0x9c: {  	s22 =	simm.s32 $0x1BFF;
	s21 =	sshll.u32 s7, $0x1;
	s4 =	sadd.s32 s5, s19  }
0x9d: {  	s8 =	simm.s32 $0x0;
	s20 =	sshll.u32 s6, $0x1;
	s6 =	sadd.s32 s21, s4  }
0x9e: {  	[timem:s8], [sflag:s22] =	dma.local [hbm:s6], s20  }
0x9f: {  	_ =	swait.ge [sflag:s22], s20  }
0xa0: {  	s5 =	ssub.s32 $0x0, s20;
	[sflag:s22] =	ssyncset.done $0x0  }
0xa1: {  	[sflag:s22] =	ssyncadd.s32 s5;
	_ =	sdelay $0x1  }
0xa2: {  	s23 =	simm.s32 $0x1B8B  }
0xa3: {  	_ =	swait.ge [sflag:s23], $0x1  }
0xa4: {  	[sflag:s23] =	ssyncset.done $0x0  }
0xa5: {  	s25 =	simm.s32 $0x1B8E;
	s24 =	sld [smem:$0x3FFE];
	[sflag:s23] =	ssyncadd.s32 $0xFFFFFFFF  }
0xa6: {  	s26 =	simm.s32 $execute0_lowered;
	[smem:$0x3FD2] =	sst s25  }
0xa7: {  	s6 =	sshll.u32 s26, $0x1;
	_ =	strace $0x80000046;
	[dreg:$0x1] =	wrdreg $0xFFFFFFFF  }
0xa8: {  	s28 =	simm.s32 $_size_execute0_lowered;
	s4 =	sadd.s32 s4, s6;
	[dreg:$0x0] =	wrdreg $0x0  }
0xa9: {  	s6 =	sshll.u32 s28, $0x1;
	[dreg:$0x2] =	wrdreg s4  }
0xaa: {  	[dreg:$0x3] =	wrdreg s6  }
0xab: {  	[dreg:$0x4] =	wrdreg $0xC0  }
0xac: {  	_ =	task [dreg:s8], $0x5FFFF  }
0xad: {  	[dreg:$0x1] =	wrdreg $0xFFFFFFFF  }
0xae: {  	[dreg:$0x0] =	wrdreg $0x60  }
0xaf: {  	[dreg:$0x2] =	wrdreg s18  }
0xb0: {  	[dreg:$0x3] =	wrdreg s2  }
0xb1: {  	[dreg:$0x4] =	wrdreg s24  }
0xb2: {  	[dreg:$0x5] =	wrdreg $0x9  }
0xb3: {  	_ =	task.clear_ibuf [dreg:s8], $0x6FFFF;
	_ =	strace $0x90000046  }
0xb4: {  	s29 =	simm.s32 $0x9;
	_ =	strace $0x80000048  }
0xb5: {  	_ =	swait.ge [sflag:s29], $0x1  }
0xb6: {  	[sflag:s29] =	ssyncadd.s32 $0xFFFFFFFF  }
0xb7: {  	_ =	strace $0x90000048  }
0xb8: {  	_ =	sfence  }
0xb9: {  	s30 =	sld [smem:$0x0];
	_ =	sdelay $0x2  }
0xba: {  	s31 =	sshll.u32 s1, $0xD;
	s1 =	sshrl.u32 s1, $0x2  }
0xbb: {  	s3 =	sand.u32 $0x4000, s31;
	s1 =	sadd.s32 s1, s30  }
0xbc: {  	s0 =	sor.u32 s3, s0;
	s1 =	sshll.u32 s1, $0x11  }
0xbd: {  	s0 =	sor.u32 s1, s0  }
0xbe: {  	s0 =	sadd.s32 $0x8F2B, s0  }
0xbf: {  	[sflag:s0] =	ssyncadd.remote.s32 $0x1  }
0xc0: {  	_ =	sfence.sel $0xFFFF  }
0xc1: {  	[dreg:$0x0] =	wrdreg $0xFFFFFFFF;
	(pc) =	sbr.abs _section_cstart, $3  }
0xc2: {  	[dreg:$0x1] =	wrdreg $0xFFFFFFFF  }
0xc3: {  	_ =	task.clear_ibuf [dreg:s8], $0x2FFFF;
	_ =	strace $0x9FFFFFFF  }
0xc4: {  	(tm) =	ssettm $0x7FFFFFFF  }
0xc5: {  	_ =	shalt  }
tec
execute0_lowered:
.L_overlay_start_1:
0x0: {  	(tag) =	ssettag $0x1  }
0x1: {  	s2 =	rddreg [dreg:$0x0]  }
0x2: {  	s1 =	srdreg.scid;
	s3 =	rddreg [dreg:$0x1]  }
0x3: {  	s0 =	stileid.u32;
	s8 =	rddreg [dreg:$0x2]  }
0x4: {  	s5 =	simm.s32 $0x0;
	s6 =	sand.u32 $0x1, s1;
	s28 =	sshll.u32 s0, $0x1  }
0x5: {  	s12 =	simm.s32 $0x400;
	s13 =	simm.s32 $0xC300;
	s7 =	sor.u32 s6, s28  }
0x6: {  	s14 =	simm.s32 $0x1;
	s15 =	simm.s32 $0x18700;
	s4 =	smul.u32 $0x1A, s7  }
0x7: {  	s16 =	simm.s32 $0x2;
	s17 =	simm.s32 $0x19700;
	s18 =	simm.s32 $0x3  }
0x8: {  	s19 =	simm.s32 $0x0;
	s1 =	rddreg [dreg:$0x3];
	s9 =	sshrl.u32 s4, $0x3  }
0x9: {  	[smem:$0x7FF] =	sst s5;
	s7 =	sshll.u32 s7, $0x8;
	s9 =	smul.u32 $0xC3800, s9  }
0xa: {  	s10 =	ssub.s32 $0x2, s6;
	_ =	strace $0x80000047;
	s29 =	sand.u32 $0x300, s7  }
0xb: {  	v0 =	vlaneseq.u32;
	s6 =	sadd.s32 $0x1600, s8;
	s30 =	sshrl.u32 s10, $0x1;
	s9 =	sor.u32 s29, s9  }
0xc: {  	v0 =	vmul.u32 $0x2, v0;
	s10 =	ssub.s32 s10, s30;
	s7 =	sadd.s32 $0x1A, s4;
	s31 =	sadd.s32 $0x61800, s9  }
0xd: {  	s10 =	smax.u32 s10, $0x1;
	s9 =	sshrl.u32 s9, $0x3;
	s11 =	sshrl.u32 s31, $0x3  }
0xe: {  	v1 =	vor.u32 $0x1, v0;
	s8 =	sadd.s32 s2, s9;
	s9 =	sadd.s32 s2, s11;
	s11 =	simm.s32 $0x80  }
.LBB2_1:
0xf: {  	[tilespmem:s5], [sflag:$0x1] =	stream.strided.gather [hbm4b:s8+s11], $0xC300, s12, s11, $0x38;
	[tilespmem:$0x19F00] =	vst v63  }
0x10: {  	s20 =	simm.s32 $0xFFFFFFFF;
	s21 =	smov.u32 s4  }
0x11: {  	[tilespmem:s13], [sflag:$0x2] =	stream.strided.gather [hbm4b:s9+s11], $0xC400, s12, s11, $0x38;
	[tilespmem:$0x19F00] =	vst v63  }
.LBB2_2:
0x12: {  	s22 =	smov.u32 s20;
	s20 =	sshrl.u32 s21, $0x5  }
0x13: {  	p0 =	seq.s32 s20, s22  }
0x14: {  	s22 =	sshll.u32 @!p0 s20, $0xC;
	s23 =	sshll.u32 @!p0 s20, $0x7  }
0x15: {  	s22 =	sand.u32 @!p0 $0xFFFF8000, s22;
	s23 =	sand.u32 @!p0 $0x380, s23  }
0x16: {  	s22 =	sor.u32 @!p0 s23, s22  }
0x17: {  	s24 =	simm.s32 @!p0 $0x400;
	s22 =	sshrl.u32 @!p0 s22, $0x3  }
0x18: {  	s25 =	simm.s32 @!p0 $0x18700;
	s23 =	simm.s32 @!p0 $0x80;
	s22 =	sadd.s32 @!p0 s3, s22  }
0x19: {  	[tilespmem:s25], [sflag:$0x3] =	stream.strided.gather @!p0 [hbm4b:s22+s23], $0x1000, s24, s23, $0x38;
	[tilespmem:$0x19F00] =	vst v63  }
0x1a: {  	s22 =	simm.s32 @!p0 $0x3  }
0x1b: {  	s29 =	simm.s32 $0x0;
	_ =	swait.ge @!p0 [sflag:s22], $0x1000  }
0x1c: {  	v2 =	vor.u32 s29, v0;
	[sflag:s22] =	ssyncset.done @!p0 $0x0  }
0x1d: {  	v3 =	vor.u32 s29, v1;
	[sflag:s22] =	ssyncadd.s32 @!p0 $0xFFFFF000  }
0x1e: {  	_ =	swait.ge [sflag:s14], $0xC300  }
0x1f: {  	[sflag:s14] =	ssyncset.done $0x0  }
0x20: {  	[sflag:s14] =	ssyncadd.s32 $0xFFFF3D00  }
0x21: {  	v2 =	vld.idx.msk [tilespmem:v2+s15+$0x0], $0xffff  }
0x22: {  	v3 =	vld.idx.msk [tilespmem:v3+s15+$0x0], $0xffff;
	_ =	sdelay $0x3  }
0x23: {  	vm0 =	vlt.s32 v2, $0xC2FF  }
0x24: {  	vm13 =	vlt.s32 v3, $0xC2FF;
	v2 =	vnsel vm0, $0xC2FF, v2  }
0x25: {  	v3 =	vnsel vm13, $0xC2FF, v3;
	_ =	sdelay $0x3  }
0x26: {  	v2 =	vld.idx.msk [tilespmem:v2+s5+$0x0], $0xffff  }
0x27: {  	v3 =	vld.idx.msk [tilespmem:v3+s5+$0x0], $0xffff;
	_ =	sdelay $0x4  }
0x28: {  	v4 =	vshrl.u32 v2, $0x10;
	v5 =	vshrl.u32 v3, $0x10  }
0x29: {  	s30 =	simm.s32 $0x20;
	v4 =	vand.u32 $0x1, v4;
	v5 =	vand.u32 $0x1, v5  }
0x2a: {  	v6 =	vor.u32 s30, v0;
	v2 =	vadd.s32 v4, v2;
	v3 =	vadd.s32 v5, v3  }
0x2b: {  	v4 =	vor.u32 s30, v1;
	v2 =	vadd.s32 $0x7FFF, v2;
	v3 =	vadd.s32 $0x7FFF, v3  }
0x2c: {  	v2 =	vshrl.u32 v2, $0x10;
	v3 =	vand.u32 $0xFFFF0000, v3  }
0x2d: {  	s22 =	simm.s32 $0x19700;
	v2 =	vor.u32 v2, v3  }
0x2e: {  	[tilespmem:s22+$0x0] =	vst v2  }
0x2f: {  	v2 =	vld.idx.msk [tilespmem:v6+s15+$0x0], $0xffff  }
0x30: {  	v3 =	vld.idx.msk [tilespmem:v4+s15+$0x0], $0xffff;
	_ =	sdelay $0x3  }
0x31: {  	vm14 =	vlt.s32 v2, $0xC2FF  }
0x32: {  	vm15 =	vlt.s32 v3, $0xC2FF;
	v2 =	vnsel vm14, $0xC2FF, v2  }
0x33: {  	v3 =	vnsel vm15, $0xC2FF, v3;
	_ =	sdelay $0x3  }
0x34: {  	v4 =	vld.idx.msk [tilespmem:v2+s5+$0x0], $0xffff  }
0x35: {  	v3 =	vld.idx.msk [tilespmem:v3+s5+$0x0], $0xffff;
	_ =	sdelay $0x4  }
0x36: {  	v2 =	vshrl.u32 v4, $0x10;
	v5 =	vshrl.u32 v3, $0x10  }
0x37: {  	s31 =	simm.s32 $0x40;
	v6 =	vand.u32 $0x1, v2;
	v5 =	vand.u32 $0x1, v5  }
0x38: {  	v2 =	vor.u32 s31, v0;
	v4 =	vadd.s32 v6, v4;
	v5 =	vadd.s32 v5, v3  }
0x39: {  	s23 =	simm.s32 $0x60;
	v3 =	vor.u32 s31, v1;
	v4 =	vadd.s32 $0x7FFF, v4;
	v5 =	vadd.s32 $0x7FFF, v5  }
.LBB2_3:
0x3a: {  	p0 =	sne.s32 s23, $0xFE0;
	v4 =	vshrl.u32 v4, $0x10;
	v5 =	vand.u32 $0xFFFF0000, v5  }
0x3b: {  	s22 =	sadd.s32 $0x10, s22;
	v4 =	vor.u32 v4, v5  }
0x3c: {  	[tilespmem:s22+$0x0] =	vst v4  }
0x3d: {  	v2 =	vld.idx.msk [tilespmem:v2+s15+$0x0], $0xffff  }
0x3e: {  	v3 =	vld.idx.msk [tilespmem:v3+s15+$0x0], $0xffff;
	_ =	sdelay $0x4  }
0x3f: {  	vm0 =	vlt.s32 v2, $0xC2FF  }
0x40: {  	v2 =	vnsel vm0, $0xC2FF, v2;
	vm0 =	vlt.s32 v3, $0xC2FF  }
0x41: {  	v3 =	vnsel vm0, $0xC2FF, v3;
	_ =	sdelay $0x3  }
0x42: {  	v4 =	vld.idx.msk [tilespmem:v2+s5+$0x0], $0xffff  }
0x43: {  	v3 =	vld.idx.msk [tilespmem:v3+s5+$0x0], $0xffff;
	_ =	sdelay $0x4  }
.Ltmp0:
0x44: {  	(pc) =	sbr.rel @p0 .LBB2_3-.Ltmp0, $4  }
0x45: {  	v2 =	vshrl.u32 v4, $0x10;
	v5 =	vshrl.u32 v3, $0x10  }
0x46: {  	v6 =	vand.u32 $0x1, v2;
	v5 =	vand.u32 $0x1, v5  }
0x47: {  	v2 =	vor.u32 s23, v0;
	v4 =	vadd.s32 v6, v4;
	v5 =	vadd.s32 v5, v3  }
0x48: {  	v3 =	vor.u32 s23, v1;
	s23 =	sadd.s32 $0x20, s23;
	v4 =	vadd.s32 $0x7FFF, v4;
	v5 =	vadd.s32 $0x7FFF, v5  }
0x49: {  	_ = 	snop  }
0x4a: {  	v4 =	vshrl.u32 v4, $0x10;
	v5 =	vand.u32 $0xFFFF0000, v5  }
0x4b: {  	s24 =	sadd.s32 $0x10, s22;
	v4 =	vor.u32 v4, v5  }
0x4c: {  	[tilespmem:s24+$0x0] =	vst v4  }
0x4d: {  	v2 =	vld.idx.msk [tilespmem:v2+s15+$0x0], $0xffff  }
0x4e: {  	v3 =	vld.idx.msk [tilespmem:v3+s15+$0x0], $0xffff;
	_ =	sdelay $0x3  }
0x4f: {  	vm0 =	vlt.s32 v2, $0xC2FF  }
0x50: {  	v2 =	vnsel vm0, $0xC2FF, v2;
	vm0 =	vlt.s32 v3, $0xC2FF  }
0x51: {  	v3 =	vnsel vm0, $0xC2FF, v3;
	_ =	sdelay $0x3  }
0x52: {  	v2 =	vld.idx.msk [tilespmem:v2+s5+$0x0], $0xffff  }
0x53: {  	v3 =	vld.idx.msk [tilespmem:v3+s5+$0x0], $0xffff;
	_ =	sdelay $0x3  }
0x54: {  	s22 =	sadd.s32 $0x1, s21  }
0x55: {  	p0 =	sge.u32 s22, s7;
	v4 =	vshrl.u32 v2, $0x10;
	v5 =	vshrl.u32 v3, $0x10  }
0x56: {  	s23 =	sshrl.u32 @!p0 s22, $0x3;
	v4 =	vand.u32 $0x1, v4;
	v5 =	vand.u32 $0x1, v5  }
0x57: {  	s25 =	sshll.u32 @!p0 s22, $0x7;
	s23 =	smul.u32 @!p0 $0xC3800, s23;
	v2 =	vadd.s32 v4, v2;
	v3 =	vadd.s32 v5, v3  }
0x58: {  	s25 =	sand.u32 @!p0 $0x380, s25;
	v2 =	vadd.s32 $0x7FFF, v2;
	v3 =	vadd.s32 $0x7FFF, v3  }
0x59: {  	s26 =	simm.s32 $0x0;
	s23 =	sor.u32 @!p0 s25, s23;
	v2 =	vshrl.u32 v2, $0x10;
	v3 =	vand.u32 $0xFFFF0000, v3  }
0x5a: {  	s24 =	sadd.s32 $0x10, s24;
	s28 =	simm.s32 @!p0 $0x400;
	s25 =	sshrl.u32 @!p0 s23, $0x3;
	v2 =	vor.u32 v2, v3  }
0x5b: {  	s29 =	simm.s32 @!p0 $0x0;
	s25 =	sadd.s32 @!p0 s2, s25;
	[tilespmem:s24+$0x0] =	vst v2;
	s24 =	simm.s32 @!p0 $0x80;
	v2 =	vor.u32 s26, v0  }
0x5c: {  	v3 =	vor.u32 s26, v1;
	[tilespmem:s29], [sflag:$0x1] =	stream.strided.gather @!p0 [hbm4b:s25+s24], $0xC300, s28, s24, $0x38;
	[tilespmem:$0x19F00] =	vst v63  }
0x5d: {  	_ =	swait.ge [sflag:s16], $0xC400  }
0x5e: {  	[sflag:s16] =	ssyncset.done $0x0  }
0x5f: {  	[sflag:s16] =	ssyncadd.s32 $0xFFFF3C00  }
0x60: {  	v6 =	vld.idx.msk [tilespmem:v2+s15+$0x0], $0xffff  }
0x61: {  	v5 =	vld.idx.msk [tilespmem:v3+s15+$0x0], $0xffff;
	_ =	sdelay $0x3  }
0x62: {  	v2 =	vadd.s32 $0xFFFF3D00, v6  }
0x63: {  	v3 =	vadd.s32 $0xFFFF3D00, v5;
	vm0 =	vgt.s32 v2, $0x0  }
0x64: {  	v2 =	vnsel vm0, $0x0, v2;
	vm0 =	vgt.s32 v3, $0x0  }
0x65: {  	v3 =	vnsel vm0, $0x0, v3;
	_ =	sdelay $0x3  }
0x66: {  	v4 =	vld.idx.msk [tilespmem:v2+s13+$0x0], $0xffff  }
0x67: {  	v7 =	vld.idx.msk [tilespmem:v3+s13+$0x0], $0xffff;
	_ =	sdelay $0x2  }
0x68: {  	s25 =	simm.s32 $0x19700  }
0x69: {  	v8 =	vld [tilespmem:s25+$0x0]  }
0x6a: {  	vm1 =	vgt.s32 v5, $0xC2FF;
	v9 =	vshrl.u32 v4, $0x10;
	v10 =	vshrl.u32 v7, $0x10  }
0x6b: {  	s30 =	simm.s32 $0x20;
	vm0 =	vgt.s32 v6, $0xC2FF;
	v9 =	vand.u32 $0x1, v9;
	v10 =	vand.u32 $0x1, v10  }
0x6c: {  	v2 =	vor.u32 s30, v0;
	v9 =	vadd.s32 v9, v4;
	v7 =	vadd.s32 v10, v7  }
0x6d: {  	s31 =	sshll.u32 s21, $0x7;
	v3 =	vor.u32 s30, v1;
	v9 =	vadd.s32 $0x7FFF, v9;
	v7 =	vadd.s32 $0x7FFF, v7  }
0x6e: {  	s26 =	simm.s32 $0x40;
	s24 =	sand.u32 $0x380, s31;
	v4 =	vand.u32 $0xFFFF, v8;
	v5 =	vshrl.u32 v9, $0x10;
	v6 =	vsel vm1, v7, v8  }
.LBB2_5:
0x6f: {  	p1 =	sne.s32 s26, $0xFE0;
	v4 =	vsel vm0, v5, v4;
	v5 =	vand.u32 $0xFFFF0000, v6  }
0x70: {  	v4 =	vor.u32 v4, v5  }
0x71: {  	[tilespmem:s25+$0x0] =	vst v4  }
0x72: {  	v6 =	vld.idx.msk [tilespmem:v2+s15+$0x0], $0xffff  }
0x73: {  	v5 =	vld.idx.msk [tilespmem:v3+s15+$0x0], $0xffff;
	_ =	sdelay $0x4  }
0x74: {  	v2 =	vadd.s32 $0xFFFF3D00, v6  }
0x75: {  	vm0 =	vgt.s32 v2, $0x0;
	v3 =	vadd.s32 $0xFFFF3D00, v5  }
0x76: {  	v2 =	vnsel vm0, $0x0, v2;
	vm0 =	vgt.s32 v3, $0x0  }
0x77: {  	v3 =	vnsel vm0, $0x0, v3;
	_ =	sdelay $0x3  }
0x78: {  	v4 =	vld.idx.msk [tilespmem:v2+s13+$0x0], $0xffff  }
0x79: {  	v7 =	vld.idx.msk [tilespmem:v3+s13+$0x0], $0xffff;
	_ =	sdelay $0x1  }
0x7a: {  	s25 =	sadd.s32 $0x10, s25  }
0x7b: {  	v8 =	vld [tilespmem:s25+$0x0];
	_ =	sdelay $0x2  }
.Ltmp1:
0x7c: {  	v2 =	vor.u32 s26, v0;
	v9 =	vshrl.u32 v4, $0x10;
	v10 =	vshrl.u32 v7, $0x10;
	(pc) =	sbr.rel @p1 .LBB2_5-.Ltmp1, $4  }
0x7d: {  	v3 =	vor.u32 s26, v1;
	v9 =	vand.u32 $0x1, v9;
	v10 =	vand.u32 $0x1, v10  }
0x7e: {  	v9 =	vadd.s32 v9, v4;
	v7 =	vadd.s32 v10, v7;
	v4 =	vand.u32 $0xFFFF, v8  }
0x7f: {  	vm1 =	vgt.s32 v5, $0xC2FF;
	v9 =	vadd.s32 $0x7FFF, v9;
	v7 =	vadd.s32 $0x7FFF, v7  }
0x80: {  	vm0 =	vgt.s32 v6, $0xC2FF;
	s26 =	sadd.s32 $0x20, s26;
	v5 =	vshrl.u32 v9, $0x10;
	v6 =	vsel vm1, v7, v8  }
0x81: {  	_ = 	snop  }
0x82: {  	v4 =	vsel vm0, v5, v4;
	v59 =	vand.u32 $0xFFFF0000, v6  }
0x83: {  	v4 =	vor.u32 v4, v59  }
0x84: {  	[tilespmem:s25+$0x0] =	vst v4  }
0x85: {  	v2 =	vld.idx.msk [tilespmem:v2+s15+$0x0], $0xffff  }
0x86: {  	v3 =	vld.idx.msk [tilespmem:v3+s15+$0x0], $0xffff;
	_ =	sdelay $0x3  }
0x87: {  	v60 =	vadd.s32 $0xFFFF3D00, v2  }
0x88: {  	v61 =	vadd.s32 $0xFFFF3D00, v3;
	vm13 =	vgt.s32 v60, $0x0  }
0x89: {  	vm14 =	vgt.s32 v61, $0x0;
	v4 =	vnsel vm13, $0x0, v60  }
0x8a: {  	v5 =	vnsel vm14, $0x0, v61;
	_ =	sdelay $0x3  }
0x8b: {  	v4 =	vld.idx.msk [tilespmem:v4+s13+$0x0], $0xffff  }
0x8c: {  	v5 =	vld.idx.msk [tilespmem:v5+s13+$0x0], $0xffff  }
0x8d: {  	s31 =	sadd.s32 $0x10, s25  }
0x8e: {  	v62 =	vld [tilespmem:s31+$0x0];
	_ =	sdelay $0x2  }
0x8f: {  	v7 =	vshrl.u32 v4, $0x10;
	v8 =	vshrl.u32 v5, $0x10  }
0x90: {  	v7 =	vand.u32 $0x1, v7;
	v8 =	vand.u32 $0x1, v8  }
0x91: {  	v63 =	vand.u32 $0xFFFF, v62;
	v4 =	vadd.s32 v7, v4;
	v5 =	vadd.s32 v8, v5  }
0x92: {  	vm15 =	vgt.s32 v3, $0xC2FF;
	v4 =	vadd.s32 $0x7FFF, v4;
	v5 =	vadd.s32 $0x7FFF, v5  }
0x93: {  	vm1 =	vgt.s32 v2, $0xC2FF;
	v3 =	vshrl.u32 v4, $0x10;
	v2 =	vsel vm15, v5, v62  }
0x94: {  	s23 =	sadd.s32 @!p0 $0x61800, s23;
	s26 =	simm.s32 @!p0 $0x400;
	s21 =	sshll.u32 s21, $0xB;
	v3 =	vsel vm1, v3, v63;
	v2 =	vand.u32 $0xFFFF0000, v2  }
0x95: {  	s28 =	simm.s32 @!p0 $0xC300;
	s23 =	sshrl.u32 @!p0 s23, $0x3;
	s21 =	sand.u32 $0xFFFFC000, s21;
	v2 =	vor.u32 v3, v2  }
0x96: {  	s23 =	sadd.s32 @!p0 s2, s23;
	s25 =	simm.s32 @!p0 $0x80;
	s21 =	sor.u32 s24, s21;
	[tilespmem:s31+$0x0] =	vst v2  }
0x97: {  	[tilespmem:s28], [sflag:$0x2] =	stream.strided.gather @!p0 [hbm4b:s23+s25], $0xC400, s26, s25, $0x38;
	[tilespmem:$0x19F00] =	vst v63  }
0x98: {  	s21 =	sshrl.u32 s21, $0x3;
	p0 =	slt.u32 s22, s7  }
.Ltmp2:
0x99: {  	s21 =	sadd.s32 s6, s21;
	(pc) =	sbr.rel @p0 .LBB2_2-.Ltmp2, $4  }
0x9a: {  	[hbm4b:s21+s11] =	stream.strided.scatter [tilespmem:s17], [sflag:$0x3], $0x800, s12, s11, $0x38;
	[tilespmem:$0x19F00] =	vst v63  }
0x9b: {  	_ =	swait.ge [sflag:s18], $0x800  }
0x9c: {  	[sflag:s18] =	ssyncset.done $0x0  }
0x9d: {  	s21 =	smov.u32 s22;
	[sflag:s18] =	ssyncadd.s32 $0xFFFFF800  }
0x9e: {  	s19 =	sadd.s32 $0x1, s19  }
0x9f: {  	p0 =	sne.s32 s19, s10  }
.Ltmp3:
0xa0: {  	_ = 	snop;
	(pc) =	sbr.rel @p0 .LBB2_1-.Ltmp3, $1  }
0xa1: {  	_ =	sdelay $0x3  }
0xa2: {  	_ =	sfence.sel $0x180000  }
0xa3: {  	[bflag:$0x0] =	sbarrier.arrive $0xFFFF  }
0xa4: {  	p0 =	sne.s32 s0, $0x0;
	_ =	strace $0x90000047  }
0xa5: {  	s0 =	sadd.s32 @!p0 $0x100000, s1;
	[bflag:$0x2] =	sbarrier.arrive $0xFFFF  }
0xa6: {  	[sflag:s0] =	ssyncadd.tile.s32 @!p0 $0x1;
	_ =	shalt  }
.Lfunc_end2:
_tile_overlayer_lowered:
.L_overlay_start_2:
0xa7: {  	(tag) =	ssettag $0x2  }
0xa8: {  	s0 =	rddreg [dreg:$0x0];
	s2 =	stileid.u32  }
0xa9: {  	s1 =	rddreg [dreg:$0x1];
	p0 =	sne.s32 s2, $0x0  }
0xaa: {  	s3 =	rddreg [dreg:$0x2];
	[bflag:$0x3] =	sbarrier.arrive $0xFFFF;
	s2 =	simm.s32 @!p0 $0x1C03  }
0xab: {  	[timem:s3], [sflag:s2] =	dma.local @!p0 [hbm:s0], s1  }
0xac: {  	s0 =	simm.s32 @!p0 $0x3  }
0xad: {  	_ =	swait.ge @!p0 [sflag:s0], s1  }
0xae: {  	s1 =	ssub.s32 @!p0 $0x0, s1;
	[sflag:s0] =	ssyncset.done @!p0 $0x0  }
0xaf: {  	[sflag:s0] =	ssyncadd.s32 @!p0 s1  }
0xb0: {  	[bflag:$0x3] =	sbarrier.arrive $0xFFFF  }
0xb1: {  	_ =	shalt  }

</sc_bundles>
